<compile_context>
chip_gen: v7x
topology: tpu7x:2x2x1
jax: 0.10.2.dev20260603
libtpu: 0.0.44.dev20260713+nightly
codegen_flags: <defaults>
</compile_context>

<pallas_src>
import functools

import jax
import jax.numpy as jnp
from jax import lax
from jax.experimental import pallas as pl
from jax.experimental.pallas import tpu as pltpu
from jax.experimental.pallas import tpu_sc as plsc

N = 10000
NP = 10240
D = 128
E = 320000
NC, NS, L = 2, 16, 16
NW = NC * NS
CH = 128
CPT = -(-E // (NW * CH))
EP = NW * CPT * CH
RPT = NP // NS

_mesh = plsc.VectorSubcoreMesh(core_axis_name="c", subcore_axis_name="s")



def _deg_body(dst_hbm, deg_hbm, dacc, didx):
    c = lax.axis_index("c")
    s = lax.axis_index("s")
    w = s * NC + c
    z16 = jnp.zeros((L,), jnp.float32)
    ones16 = jnp.ones((L,), jnp.float32)

    @pl.loop(0, NP // L)
    def _zero(i):
        dacc[pl.ds(i * L, L)] = z16

    base = w * CPT

    @pl.loop(0, CPT)
    def _count(i):
        pltpu.sync_copy(dst_hbm.at[pl.ds((base + i) * CH, CH)], didx)
        for j in range(CH // L):
            idx = didx[pl.ds(j * L, L)]
            plsc.addupdate_scatter(dacc, [idx], ones16)

    pltpu.sync_copy(dacc, deg_hbm.at[pl.ds(w * NP, NP)])


_deg_kernel = functools.partial(
    pl.kernel,
    out_type=jax.ShapeDtypeStruct((NW * NP,), jnp.float32),
    mesh=_mesh,
    scratch_types=[
        pltpu.VMEM((NP,), jnp.float32),
        pltpu.VMEM((CH,), jnp.int32),
    ],
    compiler_params=pltpu.CompilerParams(needs_layout_passes=False),
)(_deg_body)


def _agg_body(hp_hbm, src_hbm, dst_hbm, out_hbm, sidx, didx, rows, acc, sem):
    c = lax.axis_index("c")
    s = lax.axis_index("s")
    z16 = jnp.zeros((L,), jnp.float32)

    @pl.loop(0, CH)
    def _zrow(r):
        for j in range(D // L):
            rows[r, pl.ds(j * L, L)] = z16

    @pl.loop(0, RPT // CH)
    def _zacc(j):
        pltpu.sync_copy(rows, acc.at[pl.ds(s * RPT + j * CH, CH)])

    plsc.subcore_barrier()

    base = (s * NC + c) * CPT

    @pl.loop(0, CPT)
    def _edges(i):
        eb = (base + i) * CH
        pltpu.sync_copy(src_hbm.at[pl.ds(eb, CH)], sidx)
        pltpu.async_copy(hp_hbm.at[sidx], rows, sem).wait()
        pltpu.sync_copy(dst_hbm.at[pl.ds(eb, CH)], didx)
        pltpu.sync_copy(rows, acc.at[didx], add=True)

    plsc.subcore_barrier()

    @pl.loop(0, RPT // CH)
    def _wb(j):
        r0 = s * RPT + j * CH
        pltpu.sync_copy(acc.at[pl.ds(r0, CH)], rows)
        pltpu.sync_copy(rows, out_hbm.at[pl.ds(c * NP + r0, CH)])


_agg_kernel = functools.partial(
    pl.kernel,
    out_type=jax.ShapeDtypeStruct((NC * NP, D), jnp.float32),
    mesh=_mesh,
    scratch_types=[
        pltpu.VMEM((CH,), jnp.int32),
        pltpu.VMEM((CH,), jnp.int32),
        pltpu.VMEM((CH, D), jnp.float32),
        pltpu.VMEM_SHARED((NP, D), jnp.float32),
        pltpu.SemaphoreType.DMA,
    ],
)(_agg_body)



BR = 512
GRID = NP // BR


def _scale1_body(x_ref, w1_ref, degp_ref, hp1_ref, dinv_ref):
    deg = jnp.sum(degp_ref[...], axis=0) + 1.0
    di = lax.rsqrt(deg)[:, None]
    h = jnp.dot(x_ref[...], w1_ref[...], preferred_element_type=jnp.float32)
    hp1_ref[...] = h * di
    dinv_ref[...] = di


def _tc_scale1(x_p, W1, degp):
    return pl.pallas_call(
        _scale1_body,
        grid=(GRID,),
        in_specs=[
            pl.BlockSpec((BR, D), lambda i: (i, 0)),
            pl.BlockSpec((D, D), lambda i: (0, 0)),
            pl.BlockSpec((NW, BR), lambda i: (0, i)),
        ],
        out_specs=[
            pl.BlockSpec((BR, D), lambda i: (i, 0)),
            pl.BlockSpec((BR, 1), lambda i: (i, 0)),
        ],
        out_shape=[
            jax.ShapeDtypeStruct((NP, D), jnp.float32),
            jax.ShapeDtypeStruct((NP, 1), jnp.float32),
        ],
    )(x_p, W1, degp)


def _mid_body(acc_ref, hp_ref, dinv_ref, b_ref, w2_ref, hp2_ref):
    di = dinv_ref[...]
    a = acc_ref[0] + acc_ref[1] + hp_ref[...]
    o = jnp.maximum(a * di + b_ref[...], 0.0)
    hp2_ref[...] = jnp.dot(o, w2_ref[...], preferred_element_type=jnp.float32) * di


def _tc_mid(accp, hp, dinv, b, W2):
    return pl.pallas_call(
        _mid_body,
        grid=(GRID,),
        in_specs=[
            pl.BlockSpec((2, BR, D), lambda i: (0, i, 0)),
            pl.BlockSpec((BR, D), lambda i: (i, 0)),
            pl.BlockSpec((BR, 1), lambda i: (i, 0)),
            pl.BlockSpec((1, D), lambda i: (0, 0)),
            pl.BlockSpec((D, D), lambda i: (0, 0)),
        ],
        out_specs=pl.BlockSpec((BR, D), lambda i: (i, 0)),
        out_shape=jax.ShapeDtypeStruct((NP, D), jnp.float32),
    )(accp, hp, dinv, b, W2)


def _head_body(acc_ref, hp_ref, dinv_ref, b_ref, wo_ref, bo_ref, y_ref):
    a = acc_ref[0] + acc_ref[1] + hp_ref[...]
    o = jnp.maximum(a * dinv_ref[...] + b_ref[...], 0.0)
    y_ref[...] = jnp.dot(o, wo_ref[...], preferred_element_type=jnp.float32) + bo_ref[...]


def _tc_head(accp, hp, dinv, b, Wo, bo):
    return pl.pallas_call(
        _head_body,
        grid=(GRID,),
        in_specs=[
            pl.BlockSpec((2, BR, D), lambda i: (0, i, 0)),
            pl.BlockSpec((BR, D), lambda i: (i, 0)),
            pl.BlockSpec((BR, 1), lambda i: (i, 0)),
            pl.BlockSpec((1, D), lambda i: (0, 0)),
            pl.BlockSpec((D, 1), lambda i: (0, 0)),
            pl.BlockSpec((1, 1), lambda i: (0, 0)),
        ],
        out_specs=pl.BlockSpec((BR, 1), lambda i: (i, 0)),
        out_shape=jax.ShapeDtypeStruct((NP, 1), jnp.float32),
    )(accp, hp, dinv, b, Wo, bo)



def kernel(x, edge_index, W1, b1, W2, b2, Wo, bo):
    x_p = jnp.pad(x, ((0, NP - N), (0, 0)))
    pad = jnp.full((EP - E,), NP - 1, jnp.int32)
    src_p = jnp.concatenate([edge_index[0], pad])
    dst_p = jnp.concatenate([edge_index[1], pad])

    degp = _deg_kernel(dst_p).reshape(NW, NP)
    hp1, dinv = _tc_scale1(x_p, W1, degp)
    acc1 = _agg_kernel(hp1, src_p, dst_p).reshape(NC, NP, D)
    hp2 = _tc_mid(acc1, hp1, dinv, b1.reshape(1, D), W2)
    acc2 = _agg_kernel(hp2, src_p, dst_p).reshape(NC, NP, D)
    y = _tc_head(acc2, hp2, dinv, b2.reshape(1, D), Wo, bo.reshape(1, 1))
    return y[:N, 0]

# --- scband reference (transcript-rebuilt; emitter-appended) ---
"""Pipeline reference for scband-graph-importance-gnn-54657753809364 (READ-ONLY COPY).

The authoritative reference and input builder live on the scoring server;
editing this copy changes nothing except your own understanding.
"""

import jax, jax.numpy as jnp
import numpy as np


def gcn_conv(x, edge_index, W, b):
    # PyG-style GCNConv: add self-loops, symmetric normalization D^-1/2 (A+I) D^-1/2, then linear.
    N = x.shape[0]
    loop = jnp.arange(N, dtype=edge_index.dtype)
    src = jnp.concatenate([edge_index[0], loop])
    dst = jnp.concatenate([edge_index[1], loop])
    deg = jnp.zeros((N,), x.dtype).at[dst].add(jnp.ones_like(dst, dtype=x.dtype))
    dinv = jnp.where(deg > 0, 1.0 / jnp.sqrt(deg), 0.0)
    norm = dinv[src] * dinv[dst]
    h = x @ W
    msg = h[src] * norm[:, None]
    out = jax.ops.segment_sum(msg, dst, num_segments=N)
    return out + b


def setup_inputs(seed: int = 0) -> dict:
    key = jax.random.key(seed)
    ks = jax.random.split(key, 8)
    N, d_in, d_h = 10000, 128, 128
    E = 320000
    x = jax.random.normal(ks[0], (N, d_in), dtype=jnp.float32)
    edge_index = jax.random.randint(ks[1], (2, E), 0, N, dtype=jnp.int32)
    s1 = 1.0 / np.sqrt(d_in)
    s2 = 1.0 / np.sqrt(d_h)
    W1 = jax.random.uniform(ks[2], (d_in, d_h), jnp.float32, -s1, s1)
    b1 = jnp.zeros((d_h,), jnp.float32)
    W2 = jax.random.uniform(ks[3], (d_h, d_h), jnp.float32, -s2, s2)
    b2 = jnp.zeros((d_h,), jnp.float32)
    Wo = jax.random.uniform(ks[4], (d_h, 1), jnp.float32, -s2, s2)
    bo = jnp.zeros((1,), jnp.float32)
    return {"x": x, "edge_index": edge_index, "W1": W1, "b1": b1, "W2": W2, "b2": b2, "Wo": Wo, "bo": bo}


def reference(x, edge_index, W1, b1, W2, b2, Wo, bo):
    h = jax.nn.relu(gcn_conv(x, edge_index, W1, b1))
    h = jax.nn.relu(gcn_conv(h, edge_index, W2, b2))
    out = h @ Wo + bo
    return out.squeeze()

if __name__ == "__main__":
    import jax
    _d = setup_inputs()
    print(jax.jit(kernel)(*tuple(_d.values())))

</pallas_src>

<mosaic_0001>
#map = affine_map<(d0, d1) -> (0, 0)>
#map1 = affine_map<(d0, d1) -> (0)>
module attributes {stable_mosaic.version = 14 : i64} {
  func.func @_agg_body(%arg0: i32, %arg1: i32, %arg2: memref<10240x128xf32, #tpu.memory_space<hbm>>, %arg3: memref<323584xi32, #tpu.memory_space<hbm>>, %arg4: memref<323584xi32, #tpu.memory_space<hbm>>, %arg5: memref<20480x128xf32, #tpu.memory_space<hbm>>, %arg6: memref<128xi32, #tpu.memory_space<vmem>>, %arg7: memref<128xi32, #tpu.memory_space<vmem>>, %arg8: memref<128x128xf32, #tpu.memory_space<vmem>>, %arg9: memref<10240x128xf32, #tpu.memory_space<vmem_shared>>, %arg10: memref<!tpu.dma_semaphore, #tpu.memory_space<semaphore_mem>>) attributes {dimension_semantics = [#tpu.dimension_semantics<core_parallel>, #tpu.dimension_semantics<subcore_parallel>], iteration_bounds = array<i64: 2, 16>, scalar_prefetch = 0 : i64, scratch_operands = 5 : i64, tpu.core_type = #tpu.core_type<sc_vector_subcore>, window_params = [{transform_indices = #map}, {transform_indices = #map1}, {transform_indices = #map1}, {transform_indices = #map}]} {
    %broadcast_in_dim3A = arith.constant 0.000000e+00 : f32
    %broadcast_in_dim3A_0 = vector.broadcast %broadcast_in_dim3A : f32 to vector<16xf32>
    %scan3A = arith.constant 0 : i32
    %scan3A_1 = arith.constant 128 : i32
    %scan3A_2 = arith.addi %scan3A, %scan3A_1 : i32
    %scan3A_3 = arith.constant 1 : i32
    scf.for %scan3A_24 = %scan3A to %scan3A_2 step %scan3A_3  : i32 {
      %mul3A_25 = arith.constant 1 : i32
      %mul3A_26 = arith.muli %scan3A_24, %mul3A_25 : i32
      %add3A_27 = arith.constant 0 : i32
      %add3A_28 = arith.addi %add3A_27, %mul3A_26 : i32
      %swap3A = arith.index_cast %add3A_28 : i32 to index
      %swap3A_29 = arith.constant 0 : index
      %swap3A_30 = tpu.vector_load %arg8[%swap3A, %swap3A_29] {strides = array<i32>} : memref<128x128xf32, #tpu.memory_space<vmem>>, vector<1x16xf32>,
      %swap3A_31 = vector.shape_cast %swap3A_30 : vector<1x16xf32> to vector<16xf32>
      %swap3A_32 = vector.shape_cast %broadcast_in_dim3A_0 : vector<16xf32> to vector<1x16xf32>
      tpu.vector_store %arg8[%swap3A, %swap3A_29], %swap3A_32 {strides = array<i32>} : memref<128x128xf32, #tpu.memory_space<vmem>>, vector<1x16xf32>,
      %swap3A_33 = arith.index_cast %add3A_28 : i32 to index
      %swap3A_34 = arith.constant 16 : index
      %swap3A_35 = tpu.vector_load %arg8[%swap3A_33, %swap3A_34] {strides = array<i32>} : memref<128x128xf32, #tpu.memory_space<vmem>>, vector<1x16xf32>,
      %swap3A_36 = vector.shape_cast %swap3A_35 : vector<1x16xf32> to vector<16xf32>
      %swap3A_37 = vector.shape_cast %broadcast_in_dim3A_0 : vector<16xf32> to vector<1x16xf32>
      tpu.vector_store %arg8[%swap3A_33, %swap3A_34], %swap3A_37 {strides = array<i32>} : memref<128x128xf32, #tpu.memory_space<vmem>>, vector<1x16xf32>,
      %swap3A_38 = arith.index_cast %add3A_28 : i32 to index
      %swap3A_39 = arith.constant 32 : index
      %swap3A_40 = tpu.vector_load %arg8[%swap3A_38, %swap3A_39] {strides = array<i32>} : memref<128x128xf32, #tpu.memory_space<vmem>>, vector<1x16xf32>,
      %swap3A_41 = vector.shape_cast %swap3A_40 : vector<1x16xf32> to vector<16xf32>
      %swap3A_42 = vector.shape_cast %broadcast_in_dim3A_0 : vector<16xf32> to vector<1x16xf32>
      tpu.vector_store %arg8[%swap3A_38, %swap3A_39], %swap3A_42 {strides = array<i32>} : memref<128x128xf32, #tpu.memory_space<vmem>>, vector<1x16xf32>,
      %swap3A_43 = arith.index_cast %add3A_28 : i32 to index
      %swap3A_44 = arith.constant 48 : index
      %swap3A_45 = tpu.vector_load %arg8[%swap3A_43, %swap3A_44] {strides = array<i32>} : memref<128x128xf32, #tpu.memory_space<vmem>>, vector<1x16xf32>,
      %swap3A_46 = vector.shape_cast %swap3A_45 : vector<1x16xf32> to vector<16xf32>
      %swap3A_47 = vector.shape_cast %broadcast_in_dim3A_0 : vector<16xf32> to vector<1x16xf32>
      tpu.vector_store %arg8[%swap3A_43, %swap3A_44], %swap3A_47 {strides = array<i32>} : memref<128x128xf32, #tpu.memory_space<vmem>>, vector<1x16xf32>,
      %swap3A_48 = arith.index_cast %add3A_28 : i32 to index
      %swap3A_49 = arith.constant 64 : index
      %swap3A_50 = tpu.vector_load %arg8[%swap3A_48, %swap3A_49] {strides = array<i32>} : memref<128x128xf32, #tpu.memory_space<vmem>>, vector<1x16xf32>,
      %swap3A_51 = vector.shape_cast %swap3A_50 : vector<1x16xf32> to vector<16xf32>
      %swap3A_52 = vector.shape_cast %broadcast_in_dim3A_0 : vector<16xf32> to vector<1x16xf32>
      tpu.vector_store %arg8[%swap3A_48, %swap3A_49], %swap3A_52 {strides = array<i32>} : memref<128x128xf32, #tpu.memory_space<vmem>>, vector<1x16xf32>,
      %swap3A_53 = arith.index_cast %add3A_28 : i32 to index
      %swap3A_54 = arith.constant 80 : index
      %swap3A_55 = tpu.vector_load %arg8[%swap3A_53, %swap3A_54] {strides = array<i32>} : memref<128x128xf32, #tpu.memory_space<vmem>>, vector<1x16xf32>,
      %swap3A_56 = vector.shape_cast %swap3A_55 : vector<1x16xf32> to vector<16xf32>
      %swap3A_57 = vector.shape_cast %broadcast_in_dim3A_0 : vector<16xf32> to vector<1x16xf32>
      tpu.vector_store %arg8[%swap3A_53, %swap3A_54], %swap3A_57 {strides = array<i32>} : memref<128x128xf32, #tpu.memory_space<vmem>>, vector<1x16xf32>,
      %swap3A_58 = arith.index_cast %add3A_28 : i32 to index
      %swap3A_59 = arith.constant 96 : index
      %swap3A_60 = tpu.vector_load %arg8[%swap3A_58, %swap3A_59] {strides = array<i32>} : memref<128x128xf32, #tpu.memory_space<vmem>>, vector<1x16xf32>,
      %swap3A_61 = vector.shape_cast %swap3A_60 : vector<1x16xf32> to vector<16xf32>
      %swap3A_62 = vector.shape_cast %broadcast_in_dim3A_0 : vector<16xf32> to vector<1x16xf32>
      tpu.vector_store %arg8[%swap3A_58, %swap3A_59], %swap3A_62 {strides = array<i32>} : memref<128x128xf32, #tpu.memory_space<vmem>>, vector<1x16xf32>,
      %swap3A_63 = arith.index_cast %add3A_28 : i32 to index
      %swap3A_64 = arith.constant 112 : index
      %swap3A_65 = tpu.vector_load %arg8[%swap3A_63, %swap3A_64] {strides = array<i32>} : memref<128x128xf32, #tpu.memory_space<vmem>>, vector<1x16xf32>,
      %swap3A_66 = vector.shape_cast %swap3A_65 : vector<1x16xf32> to vector<16xf32>
      %swap3A_67 = vector.shape_cast %broadcast_in_dim3A_0 : vector<16xf32> to vector<1x16xf32>
      tpu.vector_store %arg8[%swap3A_63, %swap3A_64], %swap3A_67 {strides = array<i32>} : memref<128x128xf32, #tpu.memory_space<vmem>>, vector<1x16xf32>,
    }
    %scan3A_4 = arith.constant 128 : i32
    %scan3A_5 = arith.constant 0 : i32
    %scan3A_6 = arith.constant 5 : i32
    %scan3A_7 = arith.addi %scan3A_5, %scan3A_6 : i32
    %scan3A_8 = arith.constant 1 : i32
    scf.for %scan3A_24 = %scan3A_5 to %scan3A_7 step %scan3A_8  : i32 {
      %mul3A_25 = arith.constant 1 : i32
      %mul3A_26 = arith.muli %scan3A_24, %mul3A_25 : i32
      %add3A_27 = arith.constant 0 : i32
      %add3A_28 = arith.addi %add3A_27, %mul3A_26 : i32
      %mul3A_29 = arith.constant 640 : i32
      %mul3A_30 = arith.muli %arg1, %mul3A_29 : i32
      %mul3A_31 = arith.constant 128 : i32
      %mul3A_32 = arith.muli %add3A_28, %mul3A_31 : i32
      %add3A_33 = arith.addi %mul3A_30, %mul3A_32 : i32
      "tpu.region"() ({
        %run_scoped3A = tpu.sem_alloc : memref<!tpu.dma_semaphore, #tpu.memory_space<semaphore_mem>>
        %dma_start3A = arith.constant 0 : i32
        %dma_start3A_34 = tpu.memref_slice %arg9[%add3A_33, %dma_start3A] : memref<10240x128xf32, #tpu.memory_space<vmem_shared>> -> memref<128x128xf32, #tpu.memory_space<vmem_shared>>
        %dma_start3A_35 = arith.constant 0 : i32
        %dma_start3A_36 = tpu.memref_slice %arg9[%add3A_33, %dma_start3A_35] : memref<10240x128xf32, #tpu.memory_space<vmem_shared>> -> memref<128x128xf32, #tpu.memory_space<vmem_shared>>
        tpu.enqueue_dma source(%arg8 : memref<128x128xf32, #tpu.memory_space<vmem>>) target(%dma_start3A_36 : memref<128x128xf32, #tpu.memory_space<vmem_shared>>) target_semaphore(%run_scoped3A : memref<!tpu.dma_semaphore, #tpu.memory_space<semaphore_mem>>)
        %dma_wait3A = arith.constant 0 : i32
        %dma_wait3A_37 = tpu.memref_slice %arg9[%add3A_33, %dma_wait3A] : memref<10240x128xf32, #tpu.memory_space<vmem_shared>> -> memref<128x128xf32, #tpu.memory_space<vmem_shared>>
        %dma_wait3A_38 = arith.constant 0 : i32
        %dma_wait3A_39 = tpu.memref_slice %arg9[%add3A_33, %dma_wait3A_38] : memref<10240x128xf32, #tpu.memory_space<vmem_shared>> -> memref<128x128xf32, #tpu.memory_space<vmem_shared>>
        tpu.wait_dma2 semaphore(%run_scoped3A : memref<!tpu.dma_semaphore, #tpu.memory_space<semaphore_mem>>) src(%arg8 : memref<128x128xf32, #tpu.memory_space<vmem>>) dst(%dma_wait3A_39 : memref<128x128xf32, #tpu.memory_space<vmem_shared>>)
        tpu.yield
      }) : () -> ()
    }
    %scan3A_9 = arith.constant 5 : i32
    %barrier3A = arith.constant 0 : index
    tpu.barrier barrier_id(%barrier3A)
    %mul3A = arith.constant 2 : i32
    %mul3A_10 = arith.muli %arg1, %mul3A : i32
    %add3A = arith.addi %mul3A_10, %arg0 : i32
    %mul3A_11 = arith.constant 79 : i32
    %mul3A_12 = arith.muli %add3A, %mul3A_11 : i32
    %scan3A_13 = arith.constant 0 : i32
    %scan3A_14 = arith.constant 79 : i32
    %scan3A_15 = arith.addi %scan3A_13, %scan3A_14 : i32
    %scan3A_16 = arith.constant 1 : i32
    scf.for %scan3A_24 = %scan3A_13 to %scan3A_15 step %scan3A_16  : i32 {
      %mul3A_25 = arith.constant 1 : i32
      %mul3A_26 = arith.muli %scan3A_24, %mul3A_25 : i32
      %add3A_27 = arith.constant 0 : i32
      %add3A_28 = arith.addi %add3A_27, %mul3A_26 : i32
      %add3A_29 = arith.addi %mul3A_12, %add3A_28 : i32
      %mul3A_30 = arith.constant 128 : i32
      %mul3A_31 = arith.muli %add3A_29, %mul3A_30 : i32
      "tpu.region"() ({
        %run_scoped3A = tpu.sem_alloc : memref<!tpu.dma_semaphore, #tpu.memory_space<semaphore_mem>>
        %dma_start3A_36 = tpu.memref_slice %arg3[%mul3A_31] : memref<323584xi32, #tpu.memory_space<hbm>> -> memref<128xi32, #tpu.memory_space<hbm>>
        %dma_start3A_37 = tpu.memref_slice %arg3[%mul3A_31] : memref<323584xi32, #tpu.memory_space<hbm>> -> memref<128xi32, #tpu.memory_space<hbm>>
        tpu.enqueue_dma source(%dma_start3A_37 : memref<128xi32, #tpu.memory_space<hbm>>) target(%arg6 : memref<128xi32, #tpu.memory_space<vmem>>) target_semaphore(%run_scoped3A : memref<!tpu.dma_semaphore, #tpu.memory_space<semaphore_mem>>)
        %dma_wait3A_38 = tpu.memref_slice %arg3[%mul3A_31] : memref<323584xi32, #tpu.memory_space<hbm>> -> memref<128xi32, #tpu.memory_space<hbm>>
        %dma_wait3A_39 = tpu.memref_slice %arg3[%mul3A_31] : memref<323584xi32, #tpu.memory_space<hbm>> -> memref<128xi32, #tpu.memory_space<hbm>>
        tpu.wait_dma2 semaphore(%run_scoped3A : memref<!tpu.dma_semaphore, #tpu.memory_space<semaphore_mem>>) src(%dma_wait3A_39 : memref<128xi32, #tpu.memory_space<hbm>>) dst(%arg6 : memref<128xi32, #tpu.memory_space<vmem>>)
        tpu.yield
      }) : () -> ()
      %dma_start3A = arith.constant 0 : i32
      %dma_start3A_32 = arith.constant 0 : i32
      %dma_start3A_33 = tpu.memref_slice %arg2[%dma_start3A, %dma_start3A_32] : memref<10240x128xf32, #tpu.memory_space<hbm>> -> memref<10240x128xf32, #tpu.memory_space<hbm>>
      tpu.enqueue_indirect_dma source(%dma_start3A_33 : memref<10240x128xf32, #tpu.memory_space<hbm>>) target(%arg8 : memref<128x128xf32, #tpu.memory_space<vmem>>) offsets(%arg6 : memref<128xi32, #tpu.memory_space<vmem>>) semaphore(%arg10 : memref<!tpu.dma_semaphore, #tpu.memory_space<semaphore_mem>>)
      %dma_wait3A = arith.constant 0 : i32
      %dma_wait3A_34 = arith.constant 0 : i32
      %dma_wait3A_35 = tpu.memref_slice %arg2[%dma_wait3A, %dma_wait3A_34] : memref<10240x128xf32, #tpu.memory_space<hbm>> -> memref<10240x128xf32, #tpu.memory_space<hbm>>
      tpu.wait_indirect_dma semaphore(%arg10 : memref<!tpu.dma_semaphore, #tpu.memory_space<semaphore_mem>>) src(%dma_wait3A_35 : memref<10240x128xf32, #tpu.memory_space<hbm>>) dst(%arg8 : memref<128x128xf32, #tpu.memory_space<vmem>>)
      "tpu.region"() ({
        %run_scoped3A = tpu.sem_alloc : memref<!tpu.dma_semaphore, #tpu.memory_space<semaphore_mem>>
        %dma_start3A_36 = tpu.memref_slice %arg4[%mul3A_31] : memref<323584xi32, #tpu.memory_space<hbm>> -> memref<128xi32, #tpu.memory_space<hbm>>
        %dma_start3A_37 = tpu.memref_slice %arg4[%mul3A_31] : memref<323584xi32, #tpu.memory_space<hbm>> -> memref<128xi32, #tpu.memory_space<hbm>>
        tpu.enqueue_dma source(%dma_start3A_37 : memref<128xi32, #tpu.memory_space<hbm>>) target(%arg7 : memref<128xi32, #tpu.memory_space<vmem>>) target_semaphore(%run_scoped3A : memref<!tpu.dma_semaphore, #tpu.memory_space<semaphore_mem>>)
        %dma_wait3A_38 = tpu.memref_slice %arg4[%mul3A_31] : memref<323584xi32, #tpu.memory_space<hbm>> -> memref<128xi32, #tpu.memory_space<hbm>>
        %dma_wait3A_39 = tpu.memref_slice %arg4[%mul3A_31] : memref<323584xi32, #tpu.memory_space<hbm>> -> memref<128xi32, #tpu.memory_space<hbm>>
        tpu.wait_dma2 semaphore(%run_scoped3A : memref<!tpu.dma_semaphore, #tpu.memory_space<semaphore_mem>>) src(%dma_wait3A_39 : memref<128xi32, #tpu.memory_space<hbm>>) dst(%arg7 : memref<128xi32, #tpu.memory_space<vmem>>)
        tpu.yield
      }) : () -> ()
      "tpu.region"() ({
        %run_scoped3A = tpu.sem_alloc : memref<!tpu.dma_semaphore, #tpu.memory_space<semaphore_mem>>
        %dma_start3A_36 = arith.constant 0 : i32
        %dma_start3A_37 = arith.constant 0 : i32
        %dma_start3A_38 = tpu.memref_slice %arg9[%dma_start3A_36, %dma_start3A_37] : memref<10240x128xf32, #tpu.memory_space<vmem_shared>> -> memref<10240x128xf32, #tpu.memory_space<vmem_shared>>
        tpu.enqueue_indirect_dma source(%arg8 : memref<128x128xf32, #tpu.memory_space<vmem>>) target(%dma_start3A_38 : memref<10240x128xf32, #tpu.memory_space<vmem_shared>>) offsets(%arg7 : memref<128xi32, #tpu.memory_space<vmem>>) semaphore(%run_scoped3A : memref<!tpu.dma_semaphore, #tpu.memory_space<semaphore_mem>>) {add = true}
        %dma_wait3A_39 = arith.constant 0 : i32
        %dma_wait3A_40 = arith.constant 0 : i32
        %dma_wait3A_41 = tpu.memref_slice %arg9[%dma_wait3A_39, %dma_wait3A_40] : memref<10240x128xf32, #tpu.memory_space<vmem_shared>> -> memref<10240x128xf32, #tpu.memory_space<vmem_shared>>
        tpu.wait_indirect_dma semaphore(%run_scoped3A : memref<!tpu.dma_semaphore, #tpu.memory_space<semaphore_mem>>) src(%arg8 : memref<128x128xf32, #tpu.memory_space<vmem>>) dst(%dma_wait3A_41 : memref<10240x128xf32, #tpu.memory_space<vmem_shared>>)
        tpu.yield
      }) : () -> ()
    }
    %scan3A_17 = arith.constant 79 : i32
    %barrier3A_18 = arith.constant 0 : index
    tpu.barrier barrier_id(%barrier3A_18)
    %scan3A_19 = arith.constant 0 : i32
    %scan3A_20 = arith.constant 5 : i32
    %scan3A_21 = arith.addi %scan3A_19, %scan3A_20 : i32
    %scan3A_22 = arith.constant 1 : i32
    scf.for %scan3A_24 = %scan3A_19 to %scan3A_21 step %scan3A_22  : i32 {
      %mul3A_25 = arith.constant 1 : i32
      %mul3A_26 = arith.muli %scan3A_24, %mul3A_25 : i32
      %add3A_27 = arith.constant 0 : i32
      %add3A_28 = arith.addi %add3A_27, %mul3A_26 : i32
      %mul3A_29 = arith.constant 640 : i32
      %mul3A_30 = arith.muli %arg1, %mul3A_29 : i32
      %mul3A_31 = arith.constant 128 : i32
      %mul3A_32 = arith.muli %add3A_28, %mul3A_31 : i32
      %add3A_33 = arith.addi %mul3A_30, %mul3A_32 : i32
      "tpu.region"() ({
        %run_scoped3A = tpu.sem_alloc : memref<!tpu.dma_semaphore, #tpu.memory_space<semaphore_mem>>
        %dma_start3A = arith.constant 0 : i32
        %dma_start3A_37 = tpu.memref_slice %arg9[%add3A_33, %dma_start3A] : memref<10240x128xf32, #tpu.memory_space<vmem_shared>> -> memref<128x128xf32, #tpu.memory_space<vmem_shared>>
        %dma_start3A_38 = arith.constant 0 : i32
        %dma_start3A_39 = tpu.memref_slice %arg9[%add3A_33, %dma_start3A_38] : memref<10240x128xf32, #tpu.memory_space<vmem_shared>> -> memref<128x128xf32, #tpu.memory_space<vmem_shared>>
        tpu.enqueue_dma source(%dma_start3A_39 : memref<128x128xf32, #tpu.memory_space<vmem_shared>>) target(%arg8 : memref<128x128xf32, #tpu.memory_space<vmem>>) target_semaphore(%run_scoped3A : memref<!tpu.dma_semaphore, #tpu.memory_space<semaphore_mem>>)
        %dma_wait3A = arith.constant 0 : i32
        %dma_wait3A_40 = tpu.memref_slice %arg9[%add3A_33, %dma_wait3A] : memref<10240x128xf32, #tpu.memory_space<vmem_shared>> -> memref<128x128xf32, #tpu.memory_space<vmem_shared>>
        %dma_wait3A_41 = arith.constant 0 : i32
        %dma_wait3A_42 = tpu.memref_slice %arg9[%add3A_33, %dma_wait3A_41] : memref<10240x128xf32, #tpu.memory_space<vmem_shared>> -> memref<128x128xf32, #tpu.memory_space<vmem_shared>>
        tpu.wait_dma2 semaphore(%run_scoped3A : memref<!tpu.dma_semaphore, #tpu.memory_space<semaphore_mem>>) src(%dma_wait3A_42 : memref<128x128xf32, #tpu.memory_space<vmem_shared>>) dst(%arg8 : memref<128x128xf32, #tpu.memory_space<vmem>>)
        tpu.yield
      }) : () -> ()
      %mul3A_34 = arith.constant 10240 : i32
      %mul3A_35 = arith.muli %arg0, %mul3A_34 : i32
      %add3A_36 = arith.addi %mul3A_35, %add3A_33 : i32
      "tpu.region"() ({
        %run_scoped3A = tpu.sem_alloc : memref<!tpu.dma_semaphore, #tpu.memory_space<semaphore_mem>>
        %dma_start3A = arith.constant 0 : i32
        %dma_start3A_37 = tpu.memref_slice %arg5[%add3A_36, %dma_start3A] : memref<20480x128xf32, #tpu.memory_space<hbm>> -> memref<128x128xf32, #tpu.memory_space<hbm>>
        %dma_start3A_38 = arith.constant 0 : i32
        %dma_start3A_39 = tpu.memref_slice %arg5[%add3A_36, %dma_start3A_38] : memref<20480x128xf32, #tpu.memory_space<hbm>> -> memref<128x128xf32, #tpu.memory_space<hbm>>
        tpu.enqueue_dma source(%arg8 : memref<128x128xf32, #tpu.memory_space<vmem>>) target(%dma_start3A_39 : memref<128x128xf32, #tpu.memory_space<hbm>>) target_semaphore(%run_scoped3A : memref<!tpu.dma_semaphore, #tpu.memory_space<semaphore_mem>>)
        %dma_wait3A = arith.constant 0 : i32
        %dma_wait3A_40 = tpu.memref_slice %arg5[%add3A_36, %dma_wait3A] : memref<20480x128xf32, #tpu.memory_space<hbm>> -> memref<128x128xf32, #tpu.memory_space<hbm>>
        %dma_wait3A_41 = arith.constant 0 : i32
        %dma_wait3A_42 = tpu.memref_slice %arg5[%add3A_36, %dma_wait3A_41] : memref<20480x128xf32, #tpu.memory_space<hbm>> -> memref<128x128xf32, #tpu.memory_space<hbm>>
        tpu.wait_dma2 semaphore(%run_scoped3A : memref<!tpu.dma_semaphore, #tpu.memory_space<semaphore_mem>>) src(%arg8 : memref<128x128xf32, #tpu.memory_space<vmem>>) dst(%dma_wait3A_42 : memref<128x128xf32, #tpu.memory_space<hbm>>)
        tpu.yield
      }) : () -> ()
    }
    %scan3A_23 = arith.constant 5 : i32
    return
  }
}

#map = affine_map<(d0, d1) -> (0, 0)>
#map1 = affine_map<(d0, d1) -> (0)>
module attributes {stable_mosaic.version = 14 : i64} {
  func.func @_agg_body(%arg0: i32, %arg1: i32, %arg2: memref<10240x128xf32, #tpu.memory_space<hbm>>, %arg3: memref<323584xi32, #tpu.memory_space<hbm>>, %arg4: memref<323584xi32, #tpu.memory_space<hbm>>, %arg5: memref<20480x128xf32, #tpu.memory_space<hbm>>, %arg6: memref<128xi32, #tpu.memory_space<vmem>>, %arg7: memref<128xi32, #tpu.memory_space<vmem>>, %arg8: memref<128x128xf32, #tpu.memory_space<vmem>>, %arg9: memref<10240x128xf32, #tpu.memory_space<vmem_shared>>, %arg10: memref<!tpu.dma_semaphore, #tpu.memory_space<semaphore_mem>>) attributes {dimension_semantics = [#tpu.dimension_semantics<core_parallel>, #tpu.dimension_semantics<subcore_parallel>], iteration_bounds = array<i64: 2, 16>, scalar_prefetch = 0 : i64, scratch_operands = 5 : i64, tpu.core_type = #tpu.core_type<sc_vector_subcore>, window_params = [{transform_indices = #map}, {transform_indices = #map1}, {transform_indices = #map1}, {transform_indices = #map}]} {
    %broadcast_in_dim3A = arith.constant 0.000000e+00 : f32
    %broadcast_in_dim3A_0 = vector.broadcast %broadcast_in_dim3A : f32 to vector<16xf32>
    %scan3A = arith.constant 0 : i32
    %scan3A_1 = arith.constant 128 : i32
    %scan3A_2 = arith.addi %scan3A, %scan3A_1 : i32
    %scan3A_3 = arith.constant 1 : i32
    scf.for %scan3A_24 = %scan3A to %scan3A_2 step %scan3A_3  : i32 {
      %mul3A_25 = arith.constant 1 : i32
      %mul3A_26 = arith.muli %scan3A_24, %mul3A_25 : i32
      %add3A_27 = arith.constant 0 : i32
      %add3A_28 = arith.addi %add3A_27, %mul3A_26 : i32
      %swap3A = arith.index_cast %add3A_28 : i32 to index
      %swap3A_29 = arith.constant 0 : index
      %swap3A_30 = tpu.vector_load %arg8[%swap3A, %swap3A_29] {strides = array<i32>} : memref<128x128xf32, #tpu.memory_space<vmem>>, vector<1x16xf32>,
      %swap3A_31 = vector.shape_cast %swap3A_30 : vector<1x16xf32> to vector<16xf32>
      %swap3A_32 = vector.shape_cast %broadcast_in_dim3A_0 : vector<16xf32> to vector<1x16xf32>
      tpu.vector_store %arg8[%swap3A, %swap3A_29], %swap3A_32 {strides = array<i32>} : memref<128x128xf32, #tpu.memory_space<vmem>>, vector<1x16xf32>,
      %swap3A_33 = arith.index_cast %add3A_28 : i32 to index
      %swap3A_34 = arith.constant 16 : index
      %swap3A_35 = tpu.vector_load %arg8[%swap3A_33, %swap3A_34] {strides = array<i32>} : memref<128x128xf32, #tpu.memory_space<vmem>>, vector<1x16xf32>,
      %swap3A_36 = vector.shape_cast %swap3A_35 : vector<1x16xf32> to vector<16xf32>
      %swap3A_37 = vector.shape_cast %broadcast_in_dim3A_0 : vector<16xf32> to vector<1x16xf32>
      tpu.vector_store %arg8[%swap3A_33, %swap3A_34], %swap3A_37 {strides = array<i32>} : memref<128x128xf32, #tpu.memory_space<vmem>>, vector<1x16xf32>,
      %swap3A_38 = arith.index_cast %add3A_28 : i32 to index
      %swap3A_39 = arith.constant 32 : index
      %swap3A_40 = tpu.vector_load %arg8[%swap3A_38, %swap3A_39] {strides = array<i32>} : memref<128x128xf32, #tpu.memory_space<vmem>>, vector<1x16xf32>,
      %swap3A_41 = vector.shape_cast %swap3A_40 : vector<1x16xf32> to vector<16xf32>
      %swap3A_42 = vector.shape_cast %broadcast_in_dim3A_0 : vector<16xf32> to vector<1x16xf32>
      tpu.vector_store %arg8[%swap3A_38, %swap3A_39], %swap3A_42 {strides = array<i32>} : memref<128x128xf32, #tpu.memory_space<vmem>>, vector<1x16xf32>,
      %swap3A_43 = arith.index_cast %add3A_28 : i32 to index
      %swap3A_44 = arith.constant 48 : index
      %swap3A_45 = tpu.vector_load %arg8[%swap3A_43, %swap3A_44] {strides = array<i32>} : memref<128x128xf32, #tpu.memory_space<vmem>>, vector<1x16xf32>,
      %swap3A_46 = vector.shape_cast %swap3A_45 : vector<1x16xf32> to vector<16xf32>
      %swap3A_47 = vector.shape_cast %broadcast_in_dim3A_0 : vector<16xf32> to vector<1x16xf32>
      tpu.vector_store %arg8[%swap3A_43, %swap3A_44], %swap3A_47 {strides = array<i32>} : memref<128x128xf32, #tpu.memory_space<vmem>>, vector<1x16xf32>,
      %swap3A_48 = arith.index_cast %add3A_28 : i32 to index
      %swap3A_49 = arith.constant 64 : index
      %swap3A_50 = tpu.vector_load %arg8[%swap3A_48, %swap3A_49] {strides = array<i32>} : memref<128x128xf32, #tpu.memory_space<vmem>>, vector<1x16xf32>,
      %swap3A_51 = vector.shape_cast %swap3A_50 : vector<1x16xf32> to vector<16xf32>
      %swap3A_52 = vector.shape_cast %broadcast_in_dim3A_0 : vector<16xf32> to vector<1x16xf32>
      tpu.vector_store %arg8[%swap3A_48, %swap3A_49], %swap3A_52 {strides = array<i32>} : memref<128x128xf32, #tpu.memory_space<vmem>>, vector<1x16xf32>,
      %swap3A_53 = arith.index_cast %add3A_28 : i32 to index
      %swap3A_54 = arith.constant 80 : index
      %swap3A_55 = tpu.vector_load %arg8[%swap3A_53, %swap3A_54] {strides = array<i32>} : memref<128x128xf32, #tpu.memory_space<vmem>>, vector<1x16xf32>,
      %swap3A_56 = vector.shape_cast %swap3A_55 : vector<1x16xf32> to vector<16xf32>
      %swap3A_57 = vector.shape_cast %broadcast_in_dim3A_0 : vector<16xf32> to vector<1x16xf32>
      tpu.vector_store %arg8[%swap3A_53, %swap3A_54], %swap3A_57 {strides = array<i32>} : memref<128x128xf32, #tpu.memory_space<vmem>>, vector<1x16xf32>,
      %swap3A_58 = arith.index_cast %add3A_28 : i32 to index
      %swap3A_59 = arith.constant 96 : index
      %swap3A_60 = tpu.vector_load %arg8[%swap3A_58, %swap3A_59] {strides = array<i32>} : memref<128x128xf32, #tpu.memory_space<vmem>>, vector<1x16xf32>,
      %swap3A_61 = vector.shape_cast %swap3A_60 : vector<1x16xf32> to vector<16xf32>
      %swap3A_62 = vector.shape_cast %broadcast_in_dim3A_0 : vector<16xf32> to vector<1x16xf32>
      tpu.vector_store %arg8[%swap3A_58, %swap3A_59], %swap3A_62 {strides = array<i32>} : memref<128x128xf32, #tpu.memory_space<vmem>>, vector<1x16xf32>,
      %swap3A_63 = arith.index_cast %add3A_28 : i32 to index
      %swap3A_64 = arith.constant 112 : index
      %swap3A_65 = tpu.vector_load %arg8[%swap3A_63, %swap3A_64] {strides = array<i32>} : memref<128x128xf32, #tpu.memory_space<vmem>>, vector<1x16xf32>,
      %swap3A_66 = vector.shape_cast %swap3A_65 : vector<1x16xf32> to vector<16xf32>
      %swap3A_67 = vector.shape_cast %broadcast_in_dim3A_0 : vector<16xf32> to vector<1x16xf32>
      tpu.vector_store %arg8[%swap3A_63, %swap3A_64], %swap3A_67 {strides = array<i32>} : memref<128x128xf32, #tpu.memory_space<vmem>>, vector<1x16xf32>,
    }
    %scan3A_4 = arith.constant 128 : i32
    %scan3A_5 = arith.constant 0 : i32
    %scan3A_6 = arith.constant 5 : i32
    %scan3A_7 = arith.addi %scan3A_5, %scan3A_6 : i32
    %scan3A_8 = arith.constant 1 : i32
    scf.for %scan3A_24 = %scan3A_5 to %scan3A_7 step %scan3A_8  : i32 {
      %mul3A_25 = arith.constant 1 : i32
      %mul3A_26 = arith.muli %scan3A_24, %mul3A_25 : i32
      %add3A_27 = arith.constant 0 : i32
      %add3A_28 = arith.addi %add3A_27, %mul3A_26 : i32
      %mul3A_29 = arith.constant 640 : i32
      %mul3A_30 = arith.muli %arg1, %mul3A_29 : i32
      %mul3A_31 = arith.constant 128 : i32
      %mul3A_32 = arith.muli %add3A_28, %mul3A_31 : i32
      %add3A_33 = arith.addi %mul3A_30, %mul3A_32 : i32
      "tpu.region"() ({
        %run_scoped3A = tpu.sem_alloc : memref<!tpu.dma_semaphore, #tpu.memory_space<semaphore_mem>>
        %dma_start3A = arith.constant 0 : i32
        %dma_start3A_34 = tpu.memref_slice %arg9[%add3A_33, %dma_start3A] : memref<10240x128xf32, #tpu.memory_space<vmem_shared>> -> memref<128x128xf32, #tpu.memory_space<vmem_shared>>
        %dma_start3A_35 = arith.constant 0 : i32
        %dma_start3A_36 = tpu.memref_slice %arg9[%add3A_33, %dma_start3A_35] : memref<10240x128xf32, #tpu.memory_space<vmem_shared>> -> memref<128x128xf32, #tpu.memory_space<vmem_shared>>
        tpu.enqueue_dma source(%arg8 : memref<128x128xf32, #tpu.memory_space<vmem>>) target(%dma_start3A_36 : memref<128x128xf32, #tpu.memory_space<vmem_shared>>) target_semaphore(%run_scoped3A : memref<!tpu.dma_semaphore, #tpu.memory_space<semaphore_mem>>)
        %dma_wait3A = arith.constant 0 : i32
        %dma_wait3A_37 = tpu.memref_slice %arg9[%add3A_33, %dma_wait3A] : memref<10240x128xf32, #tpu.memory_space<vmem_shared>> -> memref<128x128xf32, #tpu.memory_space<vmem_shared>>
        %dma_wait3A_38 = arith.constant 0 : i32
        %dma_wait3A_39 = tpu.memref_slice %arg9[%add3A_33, %dma_wait3A_38] : memref<10240x128xf32, #tpu.memory_space<vmem_shared>> -> memref<128x128xf32, #tpu.memory_space<vmem_shared>>
        tpu.wait_dma2 semaphore(%run_scoped3A : memref<!tpu.dma_semaphore, #tpu.memory_space<semaphore_mem>>) src(%arg8 : memref<128x128xf32, #tpu.memory_space<vmem>>) dst(%dma_wait3A_39 : memref<128x128xf32, #tpu.memory_space<vmem_shared>>)
        tpu.yield
      }) : () -> ()
    }
    %scan3A_9 = arith.constant 5 : i32
    %barrier3A = arith.constant 0 : index
    tpu.barrier barrier_id(%barrier3A)
    %mul3A = arith.constant 2 : i32
    %mul3A_10 = arith.muli %arg1, %mul3A : i32
    %add3A = arith.addi %mul3A_10, %arg0 : i32
    %mul3A_11 = arith.constant 79 : i32
    %mul3A_12 = arith.muli %add3A, %mul3A_11 : i32
    %scan3A_13 = arith.constant 0 : i32
    %scan3A_14 = arith.constant 79 : i32
    %scan3A_15 = arith.addi %scan3A_13, %scan3A_14 : i32
    %scan3A_16 = arith.constant 1 : i32
    scf.for %scan3A_24 = %scan3A_13 to %scan3A_15 step %scan3A_16  : i32 {
      %mul3A_25 = arith.constant 1 : i32
      %mul3A_26 = arith.muli %scan3A_24, %mul3A_25 : i32
      %add3A_27 = arith.constant 0 : i32
      %add3A_28 = arith.addi %add3A_27, %mul3A_26 : i32
      %add3A_29 = arith.addi %mul3A_12, %add3A_28 : i32
      %mul3A_30 = arith.constant 128 : i32
      %mul3A_31 = arith.muli %add3A_29, %mul3A_30 : i32
      "tpu.region"() ({
        %run_scoped3A = tpu.sem_alloc : memref<!tpu.dma_semaphore, #tpu.memory_space<semaphore_mem>>
        %dma_start3A_36 = tpu.memref_slice %arg3[%mul3A_31] : memref<323584xi32, #tpu.memory_space<hbm>> -> memref<128xi32, #tpu.memory_space<hbm>>
        %dma_start3A_37 = tpu.memref_slice %arg3[%mul3A_31] : memref<323584xi32, #tpu.memory_space<hbm>> -> memref<128xi32, #tpu.memory_space<hbm>>
        tpu.enqueue_dma source(%dma_start3A_37 : memref<128xi32, #tpu.memory_space<hbm>>) target(%arg6 : memref<128xi32, #tpu.memory_space<vmem>>) target_semaphore(%run_scoped3A : memref<!tpu.dma_semaphore, #tpu.memory_space<semaphore_mem>>)
        %dma_wait3A_38 = tpu.memref_slice %arg3[%mul3A_31] : memref<323584xi32, #tpu.memory_space<hbm>> -> memref<128xi32, #tpu.memory_space<hbm>>
        %dma_wait3A_39 = tpu.memref_slice %arg3[%mul3A_31] : memref<323584xi32, #tpu.memory_space<hbm>> -> memref<128xi32, #tpu.memory_space<hbm>>
        tpu.wait_dma2 semaphore(%run_scoped3A : memref<!tpu.dma_semaphore, #tpu.memory_space<semaphore_mem>>) src(%dma_wait3A_39 : memref<128xi32, #tpu.memory_space<hbm>>) dst(%arg6 : memref<128xi32, #tpu.memory_space<vmem>>)
        tpu.yield
      }) : () -> ()
      %dma_start3A = arith.constant 0 : i32
      %dma_start3A_32 = arith.constant 0 : i32
      %dma_start3A_33 = tpu.memref_slice %arg2[%dma_start3A, %dma_start3A_32] : memref<10240x128xf32, #tpu.memory_space<hbm>> -> memref<10240x128xf32, #tpu.memory_space<hbm>>
      tpu.enqueue_indirect_dma source(%dma_start3A_33 : memref<10240x128xf32, #tpu.memory_space<hbm>>) target(%arg8 : memref<128x128xf32, #tpu.memory_space<vmem>>) offsets(%arg6 : memref<128xi32, #tpu.memory_space<vmem>>) semaphore(%arg10 : memref<!tpu.dma_semaphore, #tpu.memory_space<semaphore_mem>>)
      %dma_wait3A = arith.constant 0 : i32
      %dma_wait3A_34 = arith.constant 0 : i32
      %dma_wait3A_35 = tpu.memref_slice %arg2[%dma_wait3A, %dma_wait3A_34] : memref<10240x128xf32, #tpu.memory_space<hbm>> -> memref<10240x128xf32, #tpu.memory_space<hbm>>
      tpu.wait_indirect_dma semaphore(%arg10 : memref<!tpu.dma_semaphore, #tpu.memory_space<semaphore_mem>>) src(%dma_wait3A_35 : memref<10240x128xf32, #tpu.memory_space<hbm>>) dst(%arg8 : memref<128x128xf32, #tpu.memory_space<vmem>>)
      "tpu.region"() ({
        %run_scoped3A = tpu.sem_alloc : memref<!tpu.dma_semaphore, #tpu.memory_space<semaphore_mem>>
        %dma_start3A_36 = tpu.memref_slice %arg4[%mul3A_31] : memref<323584xi32, #tpu.memory_space<hbm>> -> memref<128xi32, #tpu.memory_space<hbm>>
        %dma_start3A_37 = tpu.memref_slice %arg4[%mul3A_31] : memref<323584xi32, #tpu.memory_space<hbm>> -> memref<128xi32, #tpu.memory_space<hbm>>
        tpu.enqueue_dma source(%dma_start3A_37 : memref<128xi32, #tpu.memory_space<hbm>>) target(%arg7 : memref<128xi32, #tpu.memory_space<vmem>>) target_semaphore(%run_scoped3A : memref<!tpu.dma_semaphore, #tpu.memory_space<semaphore_mem>>)
        %dma_wait3A_38 = tpu.memref_slice %arg4[%mul3A_31] : memref<323584xi32, #tpu.memory_space<hbm>> -> memref<128xi32, #tpu.memory_space<hbm>>
        %dma_wait3A_39 = tpu.memref_slice %arg4[%mul3A_31] : memref<323584xi32, #tpu.memory_space<hbm>> -> memref<128xi32, #tpu.memory_space<hbm>>
        tpu.wait_dma2 semaphore(%run_scoped3A : memref<!tpu.dma_semaphore, #tpu.memory_space<semaphore_mem>>) src(%dma_wait3A_39 : memref<128xi32, #tpu.memory_space<hbm>>) dst(%arg7 : memref<128xi32, #tpu.memory_space<vmem>>)
        tpu.yield
      }) : () -> ()
      "tpu.region"() ({
        %run_scoped3A = tpu.sem_alloc : memref<!tpu.dma_semaphore, #tpu.memory_space<semaphore_mem>>
        %dma_start3A_36 = arith.constant 0 : i32
        %dma_start3A_37 = arith.constant 0 : i32
        %dma_start3A_38 = tpu.memref_slice %arg9[%dma_start3A_36, %dma_start3A_37] : memref<10240x128xf32, #tpu.memory_space<vmem_shared>> -> memref<10240x128xf32, #tpu.memory_space<vmem_shared>>
        tpu.enqueue_indirect_dma source(%arg8 : memref<128x128xf32, #tpu.memory_space<vmem>>) target(%dma_start3A_38 : memref<10240x128xf32, #tpu.memory_space<vmem_shared>>) offsets(%arg7 : memref<128xi32, #tpu.memory_space<vmem>>) semaphore(%run_scoped3A : memref<!tpu.dma_semaphore, #tpu.memory_space<semaphore_mem>>) {add = true}
        %dma_wait3A_39 = arith.constant 0 : i32
        %dma_wait3A_40 = arith.constant 0 : i32
        %dma_wait3A_41 = tpu.memref_slice %arg9[%dma_wait3A_39, %dma_wait3A_40] : memref<10240x128xf32, #tpu.memory_space<vmem_shared>> -> memref<10240x128xf32, #tpu.memory_space<vmem_shared>>
        tpu.wait_indirect_dma semaphore(%run_scoped3A : memref<!tpu.dma_semaphore, #tpu.memory_space<semaphore_mem>>) src(%arg8 : memref<128x128xf32, #tpu.memory_space<vmem>>) dst(%dma_wait3A_41 : memref<10240x128xf32, #tpu.memory_space<vmem_shared>>)
        tpu.yield
      }) : () -> ()
    }
    %scan3A_17 = arith.constant 79 : i32
    %barrier3A_18 = arith.constant 0 : index
    tpu.barrier barrier_id(%barrier3A_18)
    %scan3A_19 = arith.constant 0 : i32
    %scan3A_20 = arith.constant 5 : i32
    %scan3A_21 = arith.addi %scan3A_19, %scan3A_20 : i32
    %scan3A_22 = arith.constant 1 : i32
    scf.for %scan3A_24 = %scan3A_19 to %scan3A_21 step %scan3A_22  : i32 {
      %mul3A_25 = arith.constant 1 : i32
      %mul3A_26 = arith.muli %scan3A_24, %mul3A_25 : i32
      %add3A_27 = arith.constant 0 : i32
      %add3A_28 = arith.addi %add3A_27, %mul3A_26 : i32
      %mul3A_29 = arith.constant 640 : i32
      %mul3A_30 = arith.muli %arg1, %mul3A_29 : i32
      %mul3A_31 = arith.constant 128 : i32
      %mul3A_32 = arith.muli %add3A_28, %mul3A_31 : i32
      %add3A_33 = arith.addi %mul3A_30, %mul3A_32 : i32
      "tpu.region"() ({
        %run_scoped3A = tpu.sem_alloc : memref<!tpu.dma_semaphore, #tpu.memory_space<semaphore_mem>>
        %dma_start3A = arith.constant 0 : i32
        %dma_start3A_37 = tpu.memref_slice %arg9[%add3A_33, %dma_start3A] : memref<10240x128xf32, #tpu.memory_space<vmem_shared>> -> memref<128x128xf32, #tpu.memory_space<vmem_shared>>
        %dma_start3A_38 = arith.constant 0 : i32
        %dma_start3A_39 = tpu.memref_slice %arg9[%add3A_33, %dma_start3A_38] : memref<10240x128xf32, #tpu.memory_space<vmem_shared>> -> memref<128x128xf32, #tpu.memory_space<vmem_shared>>
        tpu.enqueue_dma source(%dma_start3A_39 : memref<128x128xf32, #tpu.memory_space<vmem_shared>>) target(%arg8 : memref<128x128xf32, #tpu.memory_space<vmem>>) target_semaphore(%run_scoped3A : memref<!tpu.dma_semaphore, #tpu.memory_space<semaphore_mem>>)
        %dma_wait3A = arith.constant 0 : i32
        %dma_wait3A_40 = tpu.memref_slice %arg9[%add3A_33, %dma_wait3A] : memref<10240x128xf32, #tpu.memory_space<vmem_shared>> -> memref<128x128xf32, #tpu.memory_space<vmem_shared>>
        %dma_wait3A_41 = arith.constant 0 : i32
        %dma_wait3A_42 = tpu.memref_slice %arg9[%add3A_33, %dma_wait3A_41] : memref<10240x128xf32, #tpu.memory_space<vmem_shared>> -> memref<128x128xf32, #tpu.memory_space<vmem_shared>>
        tpu.wait_dma2 semaphore(%run_scoped3A : memref<!tpu.dma_semaphore, #tpu.memory_space<semaphore_mem>>) src(%dma_wait3A_42 : memref<128x128xf32, #tpu.memory_space<vmem_shared>>) dst(%arg8 : memref<128x128xf32, #tpu.memory_space<vmem>>)
        tpu.yield
      }) : () -> ()
      %mul3A_34 = arith.constant 10240 : i32
      %mul3A_35 = arith.muli %arg0, %mul3A_34 : i32
      %add3A_36 = arith.addi %mul3A_35, %add3A_33 : i32
      "tpu.region"() ({
        %run_scoped3A = tpu.sem_alloc : memref<!tpu.dma_semaphore, #tpu.memory_space<semaphore_mem>>
        %dma_start3A = arith.constant 0 : i32
        %dma_start3A_37 = tpu.memref_slice %arg5[%add3A_36, %dma_start3A] : memref<20480x128xf32, #tpu.memory_space<hbm>> -> memref<128x128xf32, #tpu.memory_space<hbm>>
        %dma_start3A_38 = arith.constant 0 : i32
        %dma_start3A_39 = tpu.memref_slice %arg5[%add3A_36, %dma_start3A_38] : memref<20480x128xf32, #tpu.memory_space<hbm>> -> memref<128x128xf32, #tpu.memory_space<hbm>>
        tpu.enqueue_dma source(%arg8 : memref<128x128xf32, #tpu.memory_space<vmem>>) target(%dma_start3A_39 : memref<128x128xf32, #tpu.memory_space<hbm>>) target_semaphore(%run_scoped3A : memref<!tpu.dma_semaphore, #tpu.memory_space<semaphore_mem>>)
        %dma_wait3A = arith.constant 0 : i32
        %dma_wait3A_40 = tpu.memref_slice %arg5[%add3A_36, %dma_wait3A] : memref<20480x128xf32, #tpu.memory_space<hbm>> -> memref<128x128xf32, #tpu.memory_space<hbm>>
        %dma_wait3A_41 = arith.constant 0 : i32
        %dma_wait3A_42 = tpu.memref_slice %arg5[%add3A_36, %dma_wait3A_41] : memref<20480x128xf32, #tpu.memory_space<hbm>> -> memref<128x128xf32, #tpu.memory_space<hbm>>
        tpu.wait_dma2 semaphore(%run_scoped3A : memref<!tpu.dma_semaphore, #tpu.memory_space<semaphore_mem>>) src(%arg8 : memref<128x128xf32, #tpu.memory_space<vmem>>) dst(%dma_wait3A_42 : memref<128x128xf32, #tpu.memory_space<hbm>>)
        tpu.yield
      }) : () -> ()
    }
    %scan3A_23 = arith.constant 5 : i32
    return
  }
}

#map = affine_map<(d0, d1) -> (0)>
module attributes {stable_mosaic.version = 14 : i64} {
  func.func @_deg_body(%arg0: i32, %arg1: i32, %arg2: memref<323584xi32, #tpu.memory_space<hbm>>, %arg3: memref<327680xf32, #tpu.memory_space<hbm>>, %arg4: memref<10240xf32, #tpu.memory_space<vmem>>, %arg5: memref<128xi32, #tpu.memory_space<vmem>>) attributes {dimension_semantics = [#tpu.dimension_semantics<core_parallel>, #tpu.dimension_semantics<subcore_parallel>], iteration_bounds = array<i64: 2, 16>, scalar_prefetch = 0 : i64, scratch_operands = 2 : i64, tpu.core_type = #tpu.core_type<sc_vector_subcore>, window_params = [{transform_indices = #map}, {transform_indices = #map}]} {
    %mul3A = arith.constant 2 : i32
    %mul3A_0 = arith.muli %arg1, %mul3A : i32
    %add3A = arith.addi %mul3A_0, %arg0 : i32
    %broadcast_in_dim3A = arith.constant 0.000000e+00 : f32
    %broadcast_in_dim3A_1 = vector.broadcast %broadcast_in_dim3A : f32 to vector<16xf32>
    %broadcast_in_dim3A_2 = arith.constant 1.000000e+00 : f32
    %broadcast_in_dim3A_3 = vector.broadcast %broadcast_in_dim3A_2 : f32 to vector<16xf32>
    %scan3A = arith.constant 0 : i32
    %scan3A_4 = arith.constant 640 : i32
    %scan3A_5 = arith.addi %scan3A, %scan3A_4 : i32
    %scan3A_6 = arith.constant 1 : i32
    scf.for %scan3A_17 = %scan3A to %scan3A_5 step %scan3A_6  : i32 {
      %mul3A_18 = arith.constant 1 : i32
      %mul3A_19 = arith.muli %scan3A_17, %mul3A_18 : i32
      %add3A_20 = arith.constant 0 : i32
      %add3A_21 = arith.addi %add3A_20, %mul3A_19 : i32
      %mul3A_22 = arith.constant 16 : i32
      %mul3A_23 = arith.muli %add3A_21, %mul3A_22 : i32
      %swap3A = arith.index_cast %mul3A_23 : i32 to index
      %swap3A_24 = tpu.vector_load %arg4[%swap3A] {strides = array<i32>} : memref<10240xf32, #tpu.memory_space<vmem>>, vector<16xf32>,
      tpu.vector_store %arg4[%swap3A], %broadcast_in_dim3A_1 {strides = array<i32>} : memref<10240xf32, #tpu.memory_space<vmem>>, vector<16xf32>,
    }
    %scan3A_7 = arith.constant 640 : i32
    %mul3A_8 = arith.constant 79 : i32
    %mul3A_9 = arith.muli %add3A, %mul3A_8 : i32
    %scan3A_10 = arith.constant 0 : i32
    %scan3A_11 = arith.constant 79 : i32
    %scan3A_12 = arith.addi %scan3A_10, %scan3A_11 : i32
    %scan3A_13 = arith.constant 1 : i32
    scf.for %scan3A_17 = %scan3A_10 to %scan3A_12 step %scan3A_13  : i32 {
      %mul3A_18 = arith.constant 1 : i32
      %mul3A_19 = arith.muli %scan3A_17, %mul3A_18 : i32
      %add3A_20 = arith.constant 0 : i32
      %add3A_21 = arith.addi %add3A_20, %mul3A_19 : i32
      %add3A_22 = arith.addi %mul3A_9, %add3A_21 : i32
      %mul3A_23 = arith.constant 128 : i32
      %mul3A_24 = arith.muli %add3A_22, %mul3A_23 : i32
      "tpu.region"() ({
        %run_scoped3A = tpu.sem_alloc : memref<!tpu.dma_semaphore, #tpu.memory_space<semaphore_mem>>
        %dma_start3A = tpu.memref_slice %arg2[%mul3A_24] : memref<323584xi32, #tpu.memory_space<hbm>> -> memref<128xi32, #tpu.memory_space<hbm>>
        %dma_start3A_40 = tpu.memref_slice %arg2[%mul3A_24] : memref<323584xi32, #tpu.memory_space<hbm>> -> memref<128xi32, #tpu.memory_space<hbm>>
        tpu.enqueue_dma source(%dma_start3A_40 : memref<128xi32, #tpu.memory_space<hbm>>) target(%arg5 : memref<128xi32, #tpu.memory_space<vmem>>) target_semaphore(%run_scoped3A : memref<!tpu.dma_semaphore, #tpu.memory_space<semaphore_mem>>)
        %dma_wait3A = tpu.memref_slice %arg2[%mul3A_24] : memref<323584xi32, #tpu.memory_space<hbm>> -> memref<128xi32, #tpu.memory_space<hbm>>
        %dma_wait3A_41 = tpu.memref_slice %arg2[%mul3A_24] : memref<323584xi32, #tpu.memory_space<hbm>> -> memref<128xi32, #tpu.memory_space<hbm>>
        tpu.wait_dma2 semaphore(%run_scoped3A : memref<!tpu.dma_semaphore, #tpu.memory_space<semaphore_mem>>) src(%dma_wait3A_41 : memref<128xi32, #tpu.memory_space<hbm>>) dst(%arg5 : memref<128xi32, #tpu.memory_space<vmem>>)
        tpu.yield
      }) : () -> ()
      %get3A = arith.constant 0 : index
      %get3A_25 = tpu.vector_load %arg5[%get3A] {strides = array<i32>} : memref<128xi32, #tpu.memory_space<vmem>>, vector<16xi32>,
      tpu.vector_store_idx %arg4[%get3A_25], %broadcast_in_dim3A_3 {add = true} : memref<10240xf32, #tpu.memory_space<vmem>>[vector<16xi32>], vector<16xf32>,
      %get3A_26 = arith.constant 16 : index
      %get3A_27 = tpu.vector_load %arg5[%get3A_26] {strides = array<i32>} : memref<128xi32, #tpu.memory_space<vmem>>, vector<16xi32>,
      tpu.vector_store_idx %arg4[%get3A_27], %broadcast_in_dim3A_3 {add = true} : memref<10240xf32, #tpu.memory_space<vmem>>[vector<16xi32>], vector<16xf32>,
      %get3A_28 = arith.constant 32 : index
      %get3A_29 = tpu.vector_load %arg5[%get3A_28] {strides = array<i32>} : memref<128xi32, #tpu.memory_space<vmem>>, vector<16xi32>,
      tpu.vector_store_idx %arg4[%get3A_29], %broadcast_in_dim3A_3 {add = true} : memref<10240xf32, #tpu.memory_space<vmem>>[vector<16xi32>], vector<16xf32>,
      %get3A_30 = arith.constant 48 : index
      %get3A_31 = tpu.vector_load %arg5[%get3A_30] {strides = array<i32>} : memref<128xi32, #tpu.memory_space<vmem>>, vector<16xi32>,
      tpu.vector_store_idx %arg4[%get3A_31], %broadcast_in_dim3A_3 {add = true} : memref<10240xf32, #tpu.memory_space<vmem>>[vector<16xi32>], vector<16xf32>,
      %get3A_32 = arith.constant 64 : index
      %get3A_33 = tpu.vector_load %arg5[%get3A_32] {strides = array<i32>} : memref<128xi32, #tpu.memory_space<vmem>>, vector<16xi32>,
      tpu.vector_store_idx %arg4[%get3A_33], %broadcast_in_dim3A_3 {add = true} : memref<10240xf32, #tpu.memory_space<vmem>>[vector<16xi32>], vector<16xf32>,
      %get3A_34 = arith.constant 80 : index
      %get3A_35 = tpu.vector_load %arg5[%get3A_34] {strides = array<i32>} : memref<128xi32, #tpu.memory_space<vmem>>, vector<16xi32>,
      tpu.vector_store_idx %arg4[%get3A_35], %broadcast_in_dim3A_3 {add = true} : memref<10240xf32, #tpu.memory_space<vmem>>[vector<16xi32>], vector<16xf32>,
      %get3A_36 = arith.constant 96 : index
      %get3A_37 = tpu.vector_load %arg5[%get3A_36] {strides = array<i32>} : memref<128xi32, #tpu.memory_space<vmem>>, vector<16xi32>,
      tpu.vector_store_idx %arg4[%get3A_37], %broadcast_in_dim3A_3 {add = true} : memref<10240xf32, #tpu.memory_space<vmem>>[vector<16xi32>], vector<16xf32>,
      %get3A_38 = arith.constant 112 : index
      %get3A_39 = tpu.vector_load %arg5[%get3A_38] {strides = array<i32>} : memref<128xi32, #tpu.memory_space<vmem>>, vector<16xi32>,
      tpu.vector_store_idx %arg4[%get3A_39], %broadcast_in_dim3A_3 {add = true} : memref<10240xf32, #tpu.memory_space<vmem>>[vector<16xi32>], vector<16xf32>,
    }
    %scan3A_14 = arith.constant 79 : i32
    %mul3A_15 = arith.constant 10240 : i32
    %mul3A_16 = arith.muli %add3A, %mul3A_15 : i32
    "tpu.region"() ({
      %run_scoped3A = tpu.sem_alloc : memref<!tpu.dma_semaphore, #tpu.memory_space<semaphore_mem>>
      %dma_start3A = tpu.memref_slice %arg3[%mul3A_16] : memref<327680xf32, #tpu.memory_space<hbm>> -> memref<10240xf32, #tpu.memory_space<hbm>>
      %dma_start3A_17 = tpu.memref_slice %arg3[%mul3A_16] : memref<327680xf32, #tpu.memory_space<hbm>> -> memref<10240xf32, #tpu.memory_space<hbm>>
      tpu.enqueue_dma source(%arg4 : memref<10240xf32, #tpu.memory_space<vmem>>) target(%dma_start3A_17 : memref<10240xf32, #tpu.memory_space<hbm>>) target_semaphore(%run_scoped3A : memref<!tpu.dma_semaphore, #tpu.memory_space<semaphore_mem>>)
      %dma_wait3A = tpu.memref_slice %arg3[%mul3A_16] : memref<327680xf32, #tpu.memory_space<hbm>> -> memref<10240xf32, #tpu.memory_space<hbm>>
      %dma_wait3A_18 = tpu.memref_slice %arg3[%mul3A_16] : memref<327680xf32, #tpu.memory_space<hbm>> -> memref<10240xf32, #tpu.memory_space<hbm>>
      tpu.wait_dma2 semaphore(%run_scoped3A : memref<!tpu.dma_semaphore, #tpu.memory_space<semaphore_mem>>) src(%arg4 : memref<10240xf32, #tpu.memory_space<vmem>>) dst(%dma_wait3A_18 : memref<10240xf32, #tpu.memory_space<hbm>>)
      tpu.yield
    }) : () -> ()
    return
  }
}

module attributes {stable_mosaic.version = 14 : i64} {
  func.func @_scale1_body(%arg0: i32, %arg1: memref<512x128xf32, #tpu.memory_space<vmem>>, %arg2: memref<128x128xf32, #tpu.memory_space<vmem>>, %arg3: memref<32x512xf32, #tpu.memory_space<vmem>>, %arg4: memref<512x128xf32, #tpu.memory_space<vmem>>, %arg5: memref<512x1xf32, #tpu.memory_space<vmem>>) attributes {dimension_semantics = [#tpu.dimension_semantics<arbitrary>], iteration_bounds = array<i64: 20>, scalar_prefetch = 0 : i64, scratch_operands = 0 : i64, tpu.core_type = #tpu.core_type<tc>, window_params = [{transform_indices = @transform_0, window_bounds = array<i64: 512, 128>}, {pipeline_mode = #tpu.pipeline_mode<synchronous>, transform_indices = @transform_1, window_bounds = array<i64: 128, 128>}, {transform_indices = @transform_2, window_bounds = array<i64: 32, 512>}, {transform_indices = @transform_3, window_bounds = array<i64: 512, 128>}, {transform_indices = @transform_4, window_bounds = array<i64: 512, 1>}]} {
    %get3A = arith.constant 0 : index
    %get3A_0 = arith.constant 0 : index
    %get3A_1 = vector.load %arg3[%get3A, %get3A_0] : memref<32x512xf32, #tpu.memory_space<vmem>>, vector<32x512xf32>
    %reduce_sum3A = arith.constant dense<0.000000e+00> : vector<512xf32>
    %reduce_sum3A_2 = vector.multi_reduction <add>, %get3A_1, %reduce_sum3A [0] : vector<32x512xf32> to vector<512xf32>
    %add3A = arith.constant 1.000000e+00 : f32
    %add3A_3 = vector.broadcast %add3A : f32 to vector<512xf32>
    %add3A_4 = arith.addf %reduce_sum3A_2, %add3A_3 : vector<512xf32>
    %rsqrt3A = math.rsqrt %add3A_4 : vector<512xf32>
    %broadcast_in_dim3A = vector.shape_cast %rsqrt3A : vector<512xf32> to vector<512x1xf32>
    %get3A_5 = arith.constant 0 : index
    %get3A_6 = arith.constant 0 : index
    %get3A_7 = vector.load %arg1[%get3A_5, %get3A_6] : memref<512x128xf32, #tpu.memory_space<vmem>>, vector<512x128xf32>
    %get3A_8 = arith.constant 0 : index
    %get3A_9 = arith.constant 0 : index
    %get3A_10 = vector.load %arg2[%get3A_8, %get3A_9] : memref<128x128xf32, #tpu.memory_space<vmem>>, vector<128x128xf32>
    %dot_general3A = arith.constant dense<0.000000e+00> : vector<512x128xf32>
    %dot_general3A_11 = tpu.matmul %get3A_7, %get3A_10, %dot_general3A {dimension_numbers = #tpu.dot_dimension_numbers<[1], [0], [0], [1], [0, 0, 1, 1], [], []>, transpose_lhs_hint = false} : vector<512x128xf32>, vector<128x128xf32>, vector<512x128xf32> -> vector<512x128xf32>
    %mul3A = vector.broadcast %broadcast_in_dim3A : vector<512x1xf32> to vector<512x128xf32>
    %mul3A_12 = arith.mulf %dot_general3A_11, %mul3A : vector<512x128xf32>
    %swap3A = arith.constant 0 : index
    %swap3A_13 = arith.constant 0 : index
    %swap3A_14 = vector.load %arg4[%swap3A, %swap3A_13] : memref<512x128xf32, #tpu.memory_space<vmem>>, vector<512x128xf32>
    tpu.vector_store %arg4[%swap3A, %swap3A_13], %mul3A_12 {strides = array<i32>} : memref<512x128xf32, #tpu.memory_space<vmem>>, vector<512x128xf32>,
    %swap3A_15 = arith.constant 0 : index
    %swap3A_16 = arith.constant 0 : index
    %swap3A_17 = vector.load %arg5[%swap3A_15, %swap3A_16] : memref<512x1xf32, #tpu.memory_space<vmem>>, vector<512x1xf32>
    tpu.vector_store %arg5[%swap3A_15, %swap3A_16], %broadcast_in_dim3A {strides = array<i32>} : memref<512x1xf32, #tpu.memory_space<vmem>>, vector<512x1xf32>,
    return
  }
  func.func @transform_0(%arg0: i32) -> (i32, i32) {
    %c0_i32 = arith.constant 0 : i32
    %c0_i32_0 = arith.constant 0 : i32
    return %arg0, %c0_i32 : i32, i32
  }
  func.func @transform_1(%arg0: i32) -> (i32, i32) {
    %c0_i32 = arith.constant 0 : i32
    %c0_i32_0 = arith.constant 0 : i32
    %c0_i32_1 = arith.constant 0 : i32
    return %c0_i32, %c0_i32_0 : i32, i32
  }
  func.func @transform_2(%arg0: i32) -> (i32, i32) {
    %c0_i32 = arith.constant 0 : i32
    %c0_i32_0 = arith.constant 0 : i32
    return %c0_i32, %arg0 : i32, i32
  }
  func.func @transform_3(%arg0: i32) -> (i32, i32) {
    %c0_i32 = arith.constant 0 : i32
    %c0_i32_0 = arith.constant 0 : i32
    return %arg0, %c0_i32 : i32, i32
  }
  func.func @transform_4(%arg0: i32) -> (i32, i32) {
    %c0_i32 = arith.constant 0 : i32
    %c0_i32_0 = arith.constant 0 : i32
    return %arg0, %c0_i32 : i32, i32
  }
}

module attributes {stable_mosaic.version = 14 : i64} {
  func.func @_mid_body(%arg0: i32, %arg1: memref<2x512x128xf32, #tpu.memory_space<vmem>>, %arg2: memref<512x128xf32, #tpu.memory_space<vmem>>, %arg3: memref<512x1xf32, #tpu.memory_space<vmem>>, %arg4: memref<1x128xf32, #tpu.memory_space<vmem>>, %arg5: memref<128x128xf32, #tpu.memory_space<vmem>>, %arg6: memref<512x128xf32, #tpu.memory_space<vmem>>) attributes {dimension_semantics = [#tpu.dimension_semantics<arbitrary>], iteration_bounds = array<i64: 20>, scalar_prefetch = 0 : i64, scratch_operands = 0 : i64, tpu.core_type = #tpu.core_type<tc>, window_params = [{transform_indices = @transform_0, window_bounds = array<i64: 2, 512, 128>}, {transform_indices = @transform_1, window_bounds = array<i64: 512, 128>}, {transform_indices = @transform_2, window_bounds = array<i64: 512, 1>}, {pipeline_mode = #tpu.pipeline_mode<synchronous>, transform_indices = @transform_3, window_bounds = array<i64: 1, 128>}, {pipeline_mode = #tpu.pipeline_mode<synchronous>, transform_indices = @transform_4, window_bounds = array<i64: 128, 128>}, {transform_indices = @transform_5, window_bounds = array<i64: 512, 128>}]} {
    %get3A = arith.constant 0 : index
    %get3A_0 = arith.constant 0 : index
    %get3A_1 = vector.load %arg3[%get3A, %get3A_0] : memref<512x1xf32, #tpu.memory_space<vmem>>, vector<512x1xf32>
    %get3A_2 = arith.constant 0 : index
    %get3A_3 = arith.constant 0 : index
    %get3A_4 = arith.constant 0 : index
    %get3A_5 = vector.load %arg1[%get3A_2, %get3A_3, %get3A_4] : memref<2x512x128xf32, #tpu.memory_space<vmem>>, vector<1x512x128xf32>
    %get3A_6 = vector.shape_cast %get3A_5 : vector<1x512x128xf32> to vector<512x128xf32>
    %get3A_7 = arith.constant 1 : index
    %get3A_8 = arith.constant 0 : index
    %get3A_9 = arith.constant 0 : index
    %get3A_10 = vector.load %arg1[%get3A_7, %get3A_8, %get3A_9] : memref<2x512x128xf32, #tpu.memory_space<vmem>>, vector<1x512x128xf32>
    %get3A_11 = vector.shape_cast %get3A_10 : vector<1x512x128xf32> to vector<512x128xf32>
    %add3A = arith.addf %get3A_6, %get3A_11 : vector<512x128xf32>
    %get3A_12 = arith.constant 0 : index
    %get3A_13 = arith.constant 0 : index
    %get3A_14 = vector.load %arg2[%get3A_12, %get3A_13] : memref<512x128xf32, #tpu.memory_space<vmem>>, vector<512x128xf32>
    %add3A_15 = arith.addf %add3A, %get3A_14 : vector<512x128xf32>
    %mul3A = vector.broadcast %get3A_1 : vector<512x1xf32> to vector<512x128xf32>
    %mul3A_16 = arith.mulf %add3A_15, %mul3A : vector<512x128xf32>
    %get3A_17 = arith.constant 0 : index
    %get3A_18 = arith.constant 0 : index
    %get3A_19 = vector.load %arg4[%get3A_17, %get3A_18] : memref<1x128xf32, #tpu.memory_space<vmem>>, vector<1x128xf32>
    %add3A_20 = vector.broadcast %get3A_19 : vector<1x128xf32> to vector<512x128xf32>
    %add3A_21 = arith.addf %mul3A_16, %add3A_20 : vector<512x128xf32>
    %max3A = arith.constant 0.000000e+00 : f32
    %max3A_22 = vector.broadcast %max3A : f32 to vector<512x128xf32>
    %max3A_23 = arith.maximumf %add3A_21, %max3A_22 : vector<512x128xf32>
    %get3A_24 = arith.constant 0 : index
    %get3A_25 = arith.constant 0 : index
    %get3A_26 = vector.load %arg5[%get3A_24, %get3A_25] : memref<128x128xf32, #tpu.memory_space<vmem>>, vector<128x128xf32>
    %dot_general3A = arith.constant dense<0.000000e+00> : vector<512x128xf32>
    %dot_general3A_27 = tpu.matmul %max3A_23, %get3A_26, %dot_general3A {dimension_numbers = #tpu.dot_dimension_numbers<[1], [0], [0], [1], [0, 0, 1, 1], [], []>, transpose_lhs_hint = false} : vector<512x128xf32>, vector<128x128xf32>, vector<512x128xf32> -> vector<512x128xf32>
    %mul3A_28 = vector.broadcast %get3A_1 : vector<512x1xf32> to vector<512x128xf32>
    %mul3A_29 = arith.mulf %dot_general3A_27, %mul3A_28 : vector<512x128xf32>
    %swap3A = arith.constant 0 : index
    %swap3A_30 = arith.constant 0 : index
    %swap3A_31 = vector.load %arg6[%swap3A, %swap3A_30] : memref<512x128xf32, #tpu.memory_space<vmem>>, vector<512x128xf32>
    tpu.vector_store %arg6[%swap3A, %swap3A_30], %mul3A_29 {strides = array<i32>} : memref<512x128xf32, #tpu.memory_space<vmem>>, vector<512x128xf32>,
    return
  }
  func.func @transform_0(%arg0: i32) -> (i32, i32, i32) {
    %c0_i32 = arith.constant 0 : i32
    %c0_i32_0 = arith.constant 0 : i32
    %c0_i32_1 = arith.constant 0 : i32
    return %c0_i32, %arg0, %c0_i32_0 : i32, i32, i32
  }
  func.func @transform_1(%arg0: i32) -> (i32, i32) {
    %c0_i32 = arith.constant 0 : i32
    %c0_i32_0 = arith.constant 0 : i32
    return %arg0, %c0_i32 : i32, i32
  }
  func.func @transform_2(%arg0: i32) -> (i32, i32) {
    %c0_i32 = arith.constant 0 : i32
    %c0_i32_0 = arith.constant 0 : i32
    return %arg0, %c0_i32 : i32, i32
  }
  func.func @transform_3(%arg0: i32) -> (i32, i32) {
    %c0_i32 = arith.constant 0 : i32
    %c0_i32_0 = arith.constant 0 : i32
    %c0_i32_1 = arith.constant 0 : i32
    return %c0_i32, %c0_i32_0 : i32, i32
  }
  func.func @transform_4(%arg0: i32) -> (i32, i32) {
    %c0_i32 = arith.constant 0 : i32
    %c0_i32_0 = arith.constant 0 : i32
    %c0_i32_1 = arith.constant 0 : i32
    return %c0_i32, %c0_i32_0 : i32, i32
  }
  func.func @transform_5(%arg0: i32) -> (i32, i32) {
    %c0_i32 = arith.constant 0 : i32
    %c0_i32_0 = arith.constant 0 : i32
    return %arg0, %c0_i32 : i32, i32
  }
}

module attributes {stable_mosaic.version = 14 : i64} {
  func.func @_head_body(%arg0: i32, %arg1: memref<2x512x128xf32, #tpu.memory_space<vmem>>, %arg2: memref<512x128xf32, #tpu.memory_space<vmem>>, %arg3: memref<512x1xf32, #tpu.memory_space<vmem>>, %arg4: memref<1x128xf32, #tpu.memory_space<vmem>>, %arg5: memref<128x1xf32, #tpu.memory_space<vmem>>, %arg6: memref<1x1xf32, #tpu.memory_space<vmem>>, %arg7: memref<512x1xf32, #tpu.memory_space<vmem>>) attributes {dimension_semantics = [#tpu.dimension_semantics<arbitrary>], iteration_bounds = array<i64: 20>, scalar_prefetch = 0 : i64, scratch_operands = 0 : i64, tpu.core_type = #tpu.core_type<tc>, window_params = [{transform_indices = @transform_0, window_bounds = array<i64: 2, 512, 128>}, {transform_indices = @transform_1, window_bounds = array<i64: 512, 128>}, {transform_indices = @transform_2, window_bounds = array<i64: 512, 1>}, {pipeline_mode = #tpu.pipeline_mode<synchronous>, transform_indices = @transform_3, window_bounds = array<i64: 1, 128>}, {pipeline_mode = #tpu.pipeline_mode<synchronous>, transform_indices = @transform_4, window_bounds = array<i64: 128, 1>}, {pipeline_mode = #tpu.pipeline_mode<synchronous>, transform_indices = @transform_5, window_bounds = array<i64: 1, 1>}, {transform_indices = @transform_6, window_bounds = array<i64: 512, 1>}]} {
    %get3A = arith.constant 0 : index
    %get3A_0 = arith.constant 0 : index
    %get3A_1 = arith.constant 0 : index
    %get3A_2 = vector.load %arg1[%get3A, %get3A_0, %get3A_1] : memref<2x512x128xf32, #tpu.memory_space<vmem>>, vector<1x512x128xf32>
    %get3A_3 = vector.shape_cast %get3A_2 : vector<1x512x128xf32> to vector<512x128xf32>
    %get3A_4 = arith.constant 1 : index
    %get3A_5 = arith.constant 0 : index
    %get3A_6 = arith.constant 0 : index
    %get3A_7 = vector.load %arg1[%get3A_4, %get3A_5, %get3A_6] : memref<2x512x128xf32, #tpu.memory_space<vmem>>, vector<1x512x128xf32>
    %get3A_8 = vector.shape_cast %get3A_7 : vector<1x512x128xf32> to vector<512x128xf32>
    %add3A = arith.addf %get3A_3, %get3A_8 : vector<512x128xf32>
    %get3A_9 = arith.constant 0 : index
    %get3A_10 = arith.constant 0 : index
    %get3A_11 = vector.load %arg2[%get3A_9, %get3A_10] : memref<512x128xf32, #tpu.memory_space<vmem>>, vector<512x128xf32>
    %add3A_12 = arith.addf %add3A, %get3A_11 : vector<512x128xf32>
    %get3A_13 = arith.constant 0 : index
    %get3A_14 = arith.constant 0 : index
    %get3A_15 = vector.load %arg3[%get3A_13, %get3A_14] : memref<512x1xf32, #tpu.memory_space<vmem>>, vector<512x1xf32>
    %mul3A = vector.broadcast %get3A_15 : vector<512x1xf32> to vector<512x128xf32>
    %mul3A_16 = arith.mulf %add3A_12, %mul3A : vector<512x128xf32>
    %get3A_17 = arith.constant 0 : index
    %get3A_18 = arith.constant 0 : index
    %get3A_19 = vector.load %arg4[%get3A_17, %get3A_18] : memref<1x128xf32, #tpu.memory_space<vmem>>, vector<1x128xf32>
    %add3A_20 = vector.broadcast %get3A_19 : vector<1x128xf32> to vector<512x128xf32>
    %add3A_21 = arith.addf %mul3A_16, %add3A_20 : vector<512x128xf32>
    %max3A = arith.constant 0.000000e+00 : f32
    %max3A_22 = vector.broadcast %max3A : f32 to vector<512x128xf32>
    %max3A_23 = arith.maximumf %add3A_21, %max3A_22 : vector<512x128xf32>
    %get3A_24 = arith.constant 0 : index
    %get3A_25 = arith.constant 0 : index
    %get3A_26 = vector.load %arg5[%get3A_24, %get3A_25] : memref<128x1xf32, #tpu.memory_space<vmem>>, vector<128x1xf32>
    %dot_general3A = arith.constant dense<0.000000e+00> : vector<512x1xf32>
    %dot_general3A_27 = tpu.matmul %max3A_23, %get3A_26, %dot_general3A {dimension_numbers = #tpu.dot_dimension_numbers<[1], [0], [0], [1], [0, 0, 1, 1], [], []>, transpose_lhs_hint = false} : vector<512x128xf32>, vector<128x1xf32>, vector<512x1xf32> -> vector<512x1xf32>
    %get3A_28 = arith.constant 0 : index
    %get3A_29 = arith.constant 0 : index
    %get3A_30 = vector.load %arg6[%get3A_28, %get3A_29] : memref<1x1xf32, #tpu.memory_space<vmem>>, vector<1x1xf32>
    %add3A_31 = vector.broadcast %get3A_30 : vector<1x1xf32> to vector<512x1xf32>
    %add3A_32 = arith.addf %dot_general3A_27, %add3A_31 : vector<512x1xf32>
    %swap3A = arith.constant 0 : index
    %swap3A_33 = arith.constant 0 : index
    %swap3A_34 = vector.load %arg7[%swap3A, %swap3A_33] : memref<512x1xf32, #tpu.memory_space<vmem>>, vector<512x1xf32>
    tpu.vector_store %arg7[%swap3A, %swap3A_33], %add3A_32 {strides = array<i32>} : memref<512x1xf32, #tpu.memory_space<vmem>>, vector<512x1xf32>,
    return
  }
  func.func @transform_0(%arg0: i32) -> (i32, i32, i32) {
    %c0_i32 = arith.constant 0 : i32
    %c0_i32_0 = arith.constant 0 : i32
    %c0_i32_1 = arith.constant 0 : i32
    return %c0_i32, %arg0, %c0_i32_0 : i32, i32, i32
  }
  func.func @transform_1(%arg0: i32) -> (i32, i32) {
    %c0_i32 = arith.constant 0 : i32
    %c0_i32_0 = arith.constant 0 : i32
    return %arg0, %c0_i32 : i32, i32
  }
  func.func @transform_2(%arg0: i32) -> (i32, i32) {
    %c0_i32 = arith.constant 0 : i32
    %c0_i32_0 = arith.constant 0 : i32
    return %arg0, %c0_i32 : i32, i32
  }
  func.func @transform_3(%arg0: i32) -> (i32, i32) {
    %c0_i32 = arith.constant 0 : i32
    %c0_i32_0 = arith.constant 0 : i32
    %c0_i32_1 = arith.constant 0 : i32
    return %c0_i32, %c0_i32_0 : i32, i32
  }
  func.func @transform_4(%arg0: i32) -> (i32, i32) {
    %c0_i32 = arith.constant 0 : i32
    %c0_i32_0 = arith.constant 0 : i32
    %c0_i32_1 = arith.constant 0 : i32
    return %c0_i32, %c0_i32_0 : i32, i32
  }
  func.func @transform_5(%arg0: i32) -> (i32, i32) {
    %c0_i32 = arith.constant 0 : i32
    %c0_i32_0 = arith.constant 0 : i32
    %c0_i32_1 = arith.constant 0 : i32
    return %c0_i32, %c0_i32_0 : i32, i32
  }
  func.func @transform_6(%arg0: i32) -> (i32, i32) {
    %c0_i32 = arith.constant 0 : i32
    %c0_i32_0 = arith.constant 0 : i32
    return %arg0, %c0_i32 : i32, i32
  }
}

</mosaic_0001>

<sc_bundles>
// kernel: kernel.11.cloned.1.call-start
scs
__scs_entry_jumppad:
0x0: {  	(pc) =	sbr.rel $0x88, $3  }
0x1: {  	(tag) =	ssettag $0x0;
	lr =	simm.s32 $0x1  }
0x2: {  	[smem:$0x3F99] =	sst lr;
	_ =	strace $0xD0000000  }
0x3: {  	_ = 	snop  }
0x4: {  	_ = 	snop  }
0x5: {  	_ = 	snop  }
0x6: {  	_ = 	snop  }
0x7: {  	_ = 	snop  }
__scs_overlays_trampoline_lowered:
0x8: {  	[smem:$0x3FA8] =	sst s0  }
0x9: {  	[smem:$0x3FA9] =	sst s1  }
0xa: {  	[smem:$0x3FAA] =	sst s2  }
0xb: {  	[smem:$0x3FAB] =	sst s3  }
0xc: {  	[smem:$0x3FAC] =	sst s4  }
0xd: {  	[smem:$0x3FAD] =	sst s5  }
0xe: {  	[smem:$0x3FAE] =	sst s6  }
0xf: {  	[smem:$0x3FAF] =	sst s7  }
0x10: {  	[smem:$0x3FB0] =	sst s8  }
0x11: {  	[smem:$0x3FB1] =	sst s9;
	s0 =	simm.s32 @!p0 $0x0  }
0x12: {  	s1 =	sld [smem:$0x3F97];
	s0 =	simm.s32 @p0 $0x1  }
0x13: {  	[smem:$0x3FB2] =	sst s0;
	s0 =	simm.s32 @!p1 $0x0  }
0x14: {  	s2 =	sld [smem:$0x3F96];
	s0 =	simm.s32 @p1 $0x1  }
0x15: {  	[smem:$0x3FB3] =	sst s0;
	s0 =	simm.s32 @!p2 $0x0  }
0x16: {  	s3 =	sld [smem:$0x3FDB];
	s0 =	simm.s32 @p2 $0x1  }
0x17: {  	s4 =	simm.s32 $0x1BF5;
	[smem:$0x3FB5] =	sst s0  }
0x18: {  	s0 =	sld [smem:$0x3F98];
	_ =	swait.ge [sflag:s4], $0x0  }
0x19: {  	s7 =	sld [smem:$0x3F99]  }
0x1a: {  	s8 =	sadd.s32 $0xFFFFE003, lr  }
0x1b: {  	s9 =	sadd.s32 $0xFFFFFEF7, lr;
	s5 =	simm.s32 $0xFFFFFFFF;
	p2 =	slt.u32 s8, $0xFFFFF086  }
0x1c: {  	p1 =	slt.u32 s9, $0xF7A;
	s5 =	simm.s32 @!p2 $0x0  }
0x1d: {  	s5 =	simm.s32 @p1 $0x1;
	p0 =	seq.s32 s7, s2  }
0x1e: {  	s7 =	smul.u32 @!p0 $0xF7A, s2;
	p2 =	seq.s32 @!p0 s5, $0x0  }
0x1f: {  	s9 =	smul.u32 $0xF7A, s1;
	s8 =	simm.s32 @!p0 $0x1BF5;
	p2 =	por !p2, p0  }
0x20: {  	[sflag:s8] =	ssyncset.s32 @!p0 $0xFFFFF086;
	s6 =	sadd.s32 @!p0 s3, s7;
	s7 =	simm.s32 @!p0 $0x108  }
0x21: {  	s3 =	sadd.s32 s3, s9;
	s6 =	sadd.s32 @!p0 $0x88, s6;
	s7 =	simm.s32 @p2 $0x1082  }
0x22: {  	[simem:s7], [sflag:s8] =	dma.local @!p0 [hbm:s6], $0xF7A  }
0x23: {  	s9 =	sor.u32 $0xD0000000, s2;
	s6 =	simm.s32 $0x108;
	_ =	swait.ge @!p0 [sflag:s8], $0x0  }
0x24: {  	s3 =	sadd.s32 $0x88, s3;
	s6 =	simm.s32 @!p1 $0x1082;
	[sflag:s4] =	ssyncset.s32 $0xFFFFF086  }
0x25: {  	[simem:s6], [sflag:s4] =	dma.local [hbm:s3], $0xF7A  }
0x26: {  	[smem:$0x3F99] =	sst s1;
	(tag) =	ssettag s2;
	_ =	strace s9  }
0x27: {  	s1 =	sld [smem:$0x3FA9]  }
0x28: {  	s2 =	sld [smem:$0x3FAA]  }
0x29: {  	s4 =	sld [smem:$0x3FAC]  }
0x2a: {  	p0 =	seq.s32 s5, $0x0;
	s5 =	sld [smem:$0x3FAD]  }
0x2b: {  	s6 =	sld [smem:$0x3FAE]  }
0x2c: {  	s7 =	sld [smem:$0x3FAF]  }
0x2d: {  	s3 =	simm.s32 $0x108;
	s8 =	sld [smem:$0x3FB0]  }
0x2e: {  	s3 =	simm.s32 @!p0 $0x1082;
	s9 =	sld [smem:$0x3FB1]  }
0x2f: {  	lr =	sadd.s32 s0, s3;
	s0 =	sld [smem:$0x3FA8]  }
0x30: {  	s3 =	sld [smem:$0x3FAB]  }
0x31: {  	[smem:$0x3FB4] =	sst s10  }
0x32: {  	s10 =	sld [smem:$0x3FB2];
	_ =	sdelay $0x3  }
0x33: {  	p0 =	seq.s32 s10, $0x1;
	s10 =	sld [smem:$0x3FB4];
	_ =	sdelay $0x3  }
0x34: {  	[smem:$0x3FB4] =	sst s10  }
0x35: {  	s10 =	sld [smem:$0x3FB3];
	_ =	sdelay $0x3  }
0x36: {  	p1 =	seq.s32 s10, $0x1;
	s10 =	sld [smem:$0x3FB4];
	_ =	sdelay $0x3  }
0x37: {  	[smem:$0x3FB4] =	sst s10  }
0x38: {  	s10 =	sld [smem:$0x3FB5]  }
0x39: {  	_ = 	snop;
	(pc) =	sbr.ind lr, $3  }
0x3a: {  	_ = 	snop  }
0x3b: {  	_ = 	snop  }
0x3c: {  	p2 =	seq.s32 s10, $0x1;
	s10 =	sld [smem:$0x3FB4]  }
0x3d: {  	_ =	shalt  }
0x3e: {  	_ =	shalt  }
0x3f: {  	_ =	shalt  }
0x40: {  	_ =	shalt  }
0x41: {  	_ =	shalt  }
0x42: {  	_ =	shalt  }
0x43: {  	_ =	shalt  }
0x44: {  	_ =	shalt  }
0x45: {  	_ =	shalt  }
0x46: {  	_ =	shalt  }
0x47: {  	_ =	shalt  }
0x48: {  	_ =	shalt  }
0x49: {  	_ =	shalt  }
0x4a: {  	_ =	shalt  }
0x4b: {  	_ =	shalt  }
0x4c: {  	_ =	shalt  }
0x4d: {  	_ =	shalt  }
0x4e: {  	_ =	shalt  }
0x4f: {  	_ =	shalt  }
0x50: {  	_ =	shalt  }
0x51: {  	_ =	shalt  }
0x52: {  	_ =	shalt  }
0x53: {  	_ =	shalt  }
0x54: {  	_ =	shalt  }
0x55: {  	_ =	shalt  }
0x56: {  	_ =	shalt  }
0x57: {  	_ =	shalt  }
0x58: {  	_ =	shalt  }
0x59: {  	_ =	shalt  }
0x5a: {  	_ =	shalt  }
0x5b: {  	_ =	shalt  }
0x5c: {  	_ =	shalt  }
0x5d: {  	_ =	shalt  }
0x5e: {  	_ =	shalt  }
0x5f: {  	_ =	shalt  }
0x60: {  	_ =	shalt  }
0x61: {  	_ =	shalt  }
0x62: {  	_ =	shalt  }
0x63: {  	_ =	shalt  }
0x64: {  	_ =	shalt  }
0x65: {  	_ =	shalt  }
0x66: {  	_ =	shalt  }
0x67: {  	_ =	shalt  }
0x68: {  	_ =	shalt  }
0x69: {  	_ =	shalt  }
0x6a: {  	_ =	shalt  }
0x6b: {  	_ =	shalt  }
0x6c: {  	_ =	shalt  }
0x6d: {  	_ =	shalt  }
0x6e: {  	_ =	shalt  }
0x6f: {  	_ =	shalt  }
0x70: {  	_ =	shalt  }
0x71: {  	_ =	shalt  }
0x72: {  	_ =	shalt  }
0x73: {  	_ =	shalt  }
0x74: {  	_ =	shalt  }
0x75: {  	_ =	shalt  }
0x76: {  	_ =	shalt  }
0x77: {  	_ =	shalt  }
0x78: {  	_ =	shalt  }
0x79: {  	_ =	shalt  }
0x7a: {  	_ =	shalt  }
0x7b: {  	_ =	shalt  }
0x7c: {  	_ =	shalt  }
0x7d: {  	_ =	shalt  }
0x7e: {  	_ =	shalt  }
0x7f: {  	_ =	shalt  }
0x80: {  	_ =	shalt  }
0x81: {  	_ =	shalt  }
0x82: {  	_ =	shalt  }
0x83: {  	_ =	shalt  }
0x84: {  	_ =	shalt  }
0x85: {  	_ =	shalt  }
0x86: {  	_ =	shalt  }
0x87: {  	_ =	shalt  }
.Lfunc_end0:
.L_simem_size_0:
called_computation.1_lowered:
.L_overlay_start_0:
0x88: {  	s2 =	sld [smem:$0x3FD9]  }
0x89: {  	s3 =	sld [smem:$0x3FFE];
	_ =	sdelay $0x1  }
0x8a: {  	s1 =	srdreg.scid  }
0x8b: {  	s0 =	sand.u32 $0x1, s1  }
0x8c: {  	s16 =	sshll.u32 s0, $0xA;
	s2 =	sadd.s32 s3, s2  }
0x8d: {  	s2 =	sadd.s32 s2, s16  }
0x8e: {  	[smem:$0x3FC0] =	sst s2  }
0x8f: {  	_ = 	snop  }
0x90: {  	(tm) =	ssettm $0x1  }
0x91: {  	s17 =	sld [smem:$0x3FFB];
	_ =	sdelay $0x3  }
0x92: {  	_ =	strace s17  }
0x93: {  	s2 =	sld [smem:$0x3FFC];
	_ =	sdelay $0x3  }
0x94: {  	_ =	strace s2  }
0x95: {  	s2 =	sld [smem:$0x3FFD];
	_ =	sdelay $0x3  }
0x96: {  	_ =	strace s2  }
0x97: {  	_ =	strace $0x8FFFFFFF  }
0x98: {  	s18 =	sld [smem:$0x3FDB];
	_ =	sdelay $0x1  }
0x99: {  	s19 =	simm.s32 $_scs_section_size  }
0x9a: {  	s4 =	simm.s32 $_size__tile_overlayer_lowered;
	s5 =	simm.s32 $_tile_overlayer_lowered  }
0x9b: {  	s22 =	simm.s32 $0x1BFF;
	s21 =	sshll.u32 s5, $0x1;
	s2 =	sadd.s32 s19, s18  }
0x9c: {  	s6 =	simm.s32 $0x0;
	s20 =	sshll.u32 s4, $0x1;
	s4 =	sadd.s32 s21, s2  }
0x9d: {  	[timem:s6], [sflag:s22] =	dma.local [hbm:s4], s20  }
0x9e: {  	_ =	swait.ge [sflag:s22], s20  }
0x9f: {  	s3 =	ssub.s32 $0x0, s20;
	[sflag:s22] =	ssyncset.done $0x0  }
0xa0: {  	[sflag:s22] =	ssyncadd.s32 s3;
	_ =	sdelay $0x1  }
0xa1: {  	s23 =	simm.s32 $0x1B8B  }
0xa2: {  	_ =	swait.ge [sflag:s23], $0x1  }
0xa3: {  	[sflag:s23] =	ssyncset.done $0x0  }
0xa4: {  	s25 =	simm.s32 $0x1B8E;
	s24 =	sld [smem:$0x3FFE];
	[sflag:s23] =	ssyncadd.s32 $0xFFFFFFFF  }
0xa5: {  	s26 =	simm.s32 $execute0_lowered;
	[smem:$0x3FD2] =	sst s25  }
0xa6: {  	s4 =	sshll.u32 s26, $0x1;
	_ =	strace $0x80000049;
	[dreg:$0x1] =	wrdreg $0xFFFFFFFF  }
0xa7: {  	s28 =	simm.s32 $_size_execute0_lowered;
	s2 =	sadd.s32 s2, s4;
	[dreg:$0x0] =	wrdreg $0x0  }
0xa8: {  	s4 =	sshll.u32 s28, $0x1;
	[dreg:$0x2] =	wrdreg s2  }
0xa9: {  	[dreg:$0x3] =	wrdreg s4  }
0xaa: {  	[dreg:$0x4] =	wrdreg $0xC0  }
0xab: {  	_ =	task [dreg:s6], $0x5FFFF  }
0xac: {  	[dreg:$0x1] =	wrdreg $0xFFFFFFFF  }
0xad: {  	[dreg:$0x0] =	wrdreg $0x60  }
0xae: {  	[dreg:$0x2] =	wrdreg s24  }
0xaf: {  	[dreg:$0x3] =	wrdreg $0x41000  }
0xb0: {  	[dreg:$0x4] =	wrdreg $0x9  }
0xb1: {  	_ =	task.clear_ibuf [dreg:s6], $0x5FFFF;
	_ =	strace $0x90000049  }
0xb2: {  	s29 =	simm.s32 $0x9;
	_ =	strace $0x8000004B  }
0xb3: {  	_ =	swait.ge [sflag:s29], $0x1  }
0xb4: {  	[sflag:s29] =	ssyncadd.s32 $0xFFFFFFFF  }
0xb5: {  	_ =	strace $0x9000004B  }
0xb6: {  	_ =	sfence  }
0xb7: {  	s30 =	sld [smem:$0x0];
	_ =	sdelay $0x2  }
0xb8: {  	s31 =	sshll.u32 s1, $0xD;
	s1 =	sshrl.u32 s1, $0x2  }
0xb9: {  	s3 =	sand.u32 $0x4000, s31;
	s1 =	sadd.s32 s1, s30  }
0xba: {  	s0 =	sor.u32 s3, s0;
	s1 =	sshll.u32 s1, $0x11  }
0xbb: {  	s0 =	sor.u32 s1, s0  }
0xbc: {  	s0 =	sadd.s32 $0x8F2B, s0  }
0xbd: {  	[sflag:s0] =	ssyncadd.remote.s32 $0x1  }
0xbe: {  	_ =	sfence.sel $0xFFFF  }
0xbf: {  	[dreg:$0x0] =	wrdreg $0xFFFFFFFF;
	(pc) =	sbr.abs _section_cstart, $3  }
0xc0: {  	[dreg:$0x1] =	wrdreg $0xFFFFFFFF  }
0xc1: {  	_ =	task.clear_ibuf [dreg:s6], $0x2FFFF;
	_ =	strace $0x9FFFFFFF  }
0xc2: {  	(tm) =	ssettm $0x7FFFFFFF  }
0xc3: {  	_ =	shalt  }
tec
execute0_lowered:
.L_overlay_start_1:
0x0: {  	(tag) =	ssettag $0x1  }
0x1: {  	s6 =	rddreg [dreg:$0x0]  }
0x2: {  	s2 =	rddreg [dreg:$0x1]  }
0x3: {  	s3 =	simm.s32 $0x0;
	s1 =	stileid.u32;
	s4 =	srdreg.scid  }
0x4: {  	[smem:$0x7FF] =	sst s3;
	s5 =	smul.u32 $0x9E0, s1  }
0x5: {  	s16 =	sand.u32 $0x1, s4;
	s7 =	smul.u32 $0x50000, s1;
	s4 =	sadd.s32 $0x1FC00, s6  }
0x6: {  	s17 =	smul.u32 $0x280, s1;
	s20 =	sadd.s32 $0x47C00, s6;
	_ =	strace $0x8000004A  }
0x7: {  	s24 =	ssub.s32 $0x2, s16;
	s19 =	smul.u32 $0x2800, s16;
	s18 =	sadd.s32 s5, s6  }
0x8: {  	s8 =	sshrl.u32 s24, $0x1;
	s7 =	sshrl.u32 s7, $0x2;
	s12 =	sadd.s32 $0x80, s17  }
0x9: {  	s26 =	sadd.s32 $0x100, s17;
	s29 =	sadd.s32 $0x180, s17;
	s23 =	sadd.s32 $0x200, s17  }
0xa: {  	s8 =	ssub.s32 s24, s8;
	s5 =	sadd.s32 s7, s2;
	s11 =	sadd.s32 s19, s17  }
0xb: {  	s13 =	sshll.u32 s12, $0x7;
	s14 =	sadd.s32 s19, s12;
	s15 =	sshll.u32 s26, $0x7  }
0xc: {  	s21 =	sadd.s32 s19, s26;
	s22 =	sshll.u32 s29, $0x7;
	s24 =	smul.u32 $0x4F0, s16  }
0xd: {  	s30 =	sshll.u32 s23, $0x7;
	s26 =	simm.s32 $0x0;
	s6 =	smax.u32 s8, $0x1  }
0xe: {  	s7 =	sadd.s32 $0x4000, s5;
	s8 =	sadd.s32 $0x8000, s5;
	s9 =	sadd.s32 $0xC000, s5  }
0xf: {  	s10 =	sadd.s32 $0x10000, s5;
	s11 =	sshll.u32 s11, $0x4;
	s12 =	sadd.s32 s13, s2  }
0x10: {  	s25 =	sshll.u32 s14, $0x4;
	s14 =	sadd.s32 s15, s2;
	s28 =	sshll.u32 s21, $0x4  }
0x11: {  	s21 =	sadd.s32 s19, s29;
	s16 =	sadd.s32 s22, s2;
	s19 =	sadd.s32 s19, s23  }
0x12: {  	s22 =	simm.s32 $0x100;
	s23 =	simm.s32 $0x2;
	s11 =	sadd.s32 s20, s11  }
0x13: {  	s13 =	sadd.s32 s20, s25;
	s15 =	sadd.s32 s20, s28;
	s21 =	sshll.u32 s21, $0x4  }
0x14: {  	s19 =	sshll.u32 s19, $0x4;
	s31 =	sadd.s32 s24, s18;
	s18 =	sadd.s32 s30, s2  }
0x15: {  	s24 =	simm.s32 $0x80;
	s25 =	simm.s32 $0x1;
	s17 =	sadd.s32 s20, s21  }
0x16: {  	v0 =	vimm.f32 $0.0e+00;
	s19 =	sadd.s32 s20, s19;
	s20 =	sadd.s32 $0x2000, s31;
	s21 =	sadd.s32 $0x15E00, s31  }
.LBB2_1:
0x17: {  	s28 =	simm.s32 $0x0;
	s29 =	simm.s32 $0x200  }
.LBB2_2:
0x18: {  	p0 =	sne.s32 s29, $0xFE00;
	[tilespmem:s28+$0x170] =	vst v0  }
0x19: {  	[tilespmem:s28+$0x100] =	vst v0  }
0x1a: {  	[tilespmem:s28+$0x110] =	vst v0  }
.Ltmp0:
0x1b: {  	[tilespmem:s28+$0x120] =	vst v0;
	(pc) =	sbr.rel @p0 .LBB2_2-.Ltmp0, $4  }
0x1c: {  	[tilespmem:s28+$0x130] =	vst v0  }
0x1d: {  	[tilespmem:s28+$0x140] =	vst v0  }
0x1e: {  	[tilespmem:s28+$0x150] =	vst v0  }
0x1f: {  	[tilespmem:s28+$0x160] =	vst v0;
	s28 =	sshra.s32 s29, $0x2;
	s29 =	sadd.s32 $0x200, s29  }
0x20: {  	[tilespmem:s28+$0x170] =	vst v0  }
0x21: {  	[tilespmem:s28+$0x100] =	vst v0  }
0x22: {  	[tilespmem:s28+$0x110] =	vst v0  }
0x23: {  	[tilespmem:s28+$0x120] =	vst v0  }
0x24: {  	[tilespmem:s28+$0x130] =	vst v0  }
0x25: {  	[tilespmem:s28+$0x140] =	vst v0  }
0x26: {  	[tilespmem:s28+$0x150] =	vst v0  }
0x27: {  	[tilespmem:s28+$0x160] =	vst v0  }
0x28: {  	[spmem:s5] =	stream.linear.scatter [tilespmem:s22], [sflag:$0x2], $0x4000, $0x38;
	[tilespmem:$0x18100] =	vst v63  }
0x29: {  	_ =	swait.ge [sflag:s23], $0x4000  }
0x2a: {  	[sflag:s23] =	ssyncset.done $0x0  }
0x2b: {  	[sflag:s23] =	ssyncadd.s32 $0xFFFFC000  }
0x2c: {  	[spmem:s7] =	stream.linear.scatter [tilespmem:s22], [sflag:$0x2], $0x4000, $0x38;
	[tilespmem:$0x18100] =	vst v63  }
0x2d: {  	_ =	swait.ge [sflag:s23], $0x4000  }
0x2e: {  	[sflag:s23] =	ssyncset.done $0x0  }
0x2f: {  	[sflag:s23] =	ssyncadd.s32 $0xFFFFC000  }
0x30: {  	[spmem:s8] =	stream.linear.scatter [tilespmem:s22], [sflag:$0x2], $0x4000, $0x38;
	[tilespmem:$0x18100] =	vst v63  }
0x31: {  	_ =	swait.ge [sflag:s23], $0x4000  }
0x32: {  	[sflag:s23] =	ssyncset.done $0x0  }
0x33: {  	[sflag:s23] =	ssyncadd.s32 $0xFFFFC000  }
0x34: {  	[spmem:s9] =	stream.linear.scatter [tilespmem:s22], [sflag:$0x2], $0x4000, $0x38;
	[tilespmem:$0x18100] =	vst v63  }
0x35: {  	_ =	swait.ge [sflag:s23], $0x4000  }
0x36: {  	[sflag:s23] =	ssyncset.done $0x0  }
0x37: {  	[sflag:s23] =	ssyncadd.s32 $0xFFFFC000  }
0x38: {  	[spmem:s10] =	stream.linear.scatter [tilespmem:s22], [sflag:$0x2], $0x4000, $0x38;
	[tilespmem:$0x18100] =	vst v63  }
0x39: {  	_ =	swait.ge [sflag:s23], $0x4000  }
0x3a: {  	[sflag:s23] =	ssyncset.done $0x0  }
0x3b: {  	[sflag:s23] =	ssyncadd.s32 $0xFFFFC000  }
0x3c: {  	s28 =	sadd.s32 $0x0, s21;
	[bflag:$0x0] =	sbarrier.arrive $0xFFFF  }
0x3d: {  	[tilespmem:s3], [sflag:$0x2] =	stream.linear.gather [hbm4b:s28+s3], $0x80, $0x38;
	[tilespmem:$0x18100] =	vst v63  }
0x3e: {  	_ =	swait.ge [sflag:s23], $0x80  }
0x3f: {  	[sflag:s23] =	ssyncset.done $0x0  }
0x40: {  	[sflag:s23] =	ssyncadd.s32 $0xFFFFFF80  }
0x41: {  	[tilespmem:s22], [sflag:$0x1] =	stream.indirect.gather [hbm4b:s4+s24], $0x80, s3, s24, $0xb8;
	[tilespmem:$0x18100] =	vst v63  }
0x42: {  	_ =	swait.ge [sflag:s25], $0x4000  }
0x43: {  	[sflag:s25] =	ssyncset.done $0x0  }
0x44: {  	s28 =	sadd.s32 $0x0, s20;
	[sflag:s25] =	ssyncadd.s32 $0xFFFFC000  }
0x45: {  	[tilespmem:s24], [sflag:$0x2] =	stream.linear.gather [hbm4b:s28+s3], $0x80, $0x38;
	[tilespmem:$0x18100] =	vst v63  }
0x46: {  	_ =	swait.ge [sflag:s23], $0x80  }
0x47: {  	[sflag:s23] =	ssyncset.done $0x0  }
0x48: {  	[sflag:s23] =	ssyncadd.s32 $0xFFFFFF80  }
0x49: {  	[spmem:s2] =	stream.indirect.scatter.add.f32 [tilespmem:s22], [sflag:$0x2], $0x80, s24, s24, $0xb8;
	[tilespmem:$0x18100] =	vst v63  }
0x4a: {  	_ =	swait.ge [sflag:s23], $0x4000  }
0x4b: {  	s29 =	simm.s32 $0x20;
	s28 =	simm.s32 $0x10;
	[sflag:s23] =	ssyncset.done $0x0  }
.LBB2_4:
0x4c: {  	s30 =	sadd.s32 s28, s21  }
0x4d: {  	[sflag:s23] =	ssyncadd.s32 $0xFFFFC000;
	s31 =	smov.u32 s29;
	s0 =	sadd.s32 $0x10, s29  }
0x4e: {  	[tilespmem:s3], [sflag:$0x2] =	stream.linear.gather [hbm4b:s30+s3], $0x80, $0x38;
	[tilespmem:$0x18100] =	vst v63  }
0x4f: {  	p0 =	sne.s32 s29, $0x4E0;
	_ =	swait.ge [sflag:s23], $0x80  }
0x50: {  	[sflag:s23] =	ssyncset.done $0x0  }
0x51: {  	[sflag:s23] =	ssyncadd.s32 $0xFFFFFF80  }
0x52: {  	[tilespmem:s22], [sflag:$0x1] =	stream.indirect.gather [hbm4b:s4+s24], $0x80, s3, s24, $0xb8;
	[tilespmem:$0x18100] =	vst v63  }
0x53: {  	_ =	swait.ge [sflag:s25], $0x4000  }
0x54: {  	[sflag:s25] =	ssyncset.done $0x0  }
0x55: {  	s29 =	sadd.s32 s28, s20;
	s28 =	smov.u32 s31;
	[sflag:s25] =	ssyncadd.s32 $0xFFFFC000  }
0x56: {  	[tilespmem:s24], [sflag:$0x2] =	stream.linear.gather [hbm4b:s29+s3], $0x80, $0x38;
	[tilespmem:$0x18100] =	vst v63  }
0x57: {  	_ =	swait.ge [sflag:s23], $0x80  }
.Ltmp1:
0x58: {  	[sflag:s23] =	ssyncset.done $0x0;
	(pc) =	sbr.rel @p0 .LBB2_4-.Ltmp1, $4  }
0x59: {  	[sflag:s23] =	ssyncadd.s32 $0xFFFFFF80  }
0x5a: {  	[spmem:s2] =	stream.indirect.scatter.add.f32 [tilespmem:s22], [sflag:$0x2], $0x80, s24, s24, $0xb8;
	[tilespmem:$0x18100] =	vst v63  }
0x5b: {  	_ =	swait.ge [sflag:s23], $0x4000  }
0x5c: {  	s29 =	smov.u32 s0;
	[sflag:s23] =	ssyncset.done $0x0  }
0x5d: {  	s0 =	sadd.s32 s28, s21;
	[sflag:s23] =	ssyncadd.s32 $0xFFFFC000  }
0x5e: {  	[tilespmem:s3], [sflag:$0x2] =	stream.linear.gather [hbm4b:s0+s3], $0x80, $0x38;
	[tilespmem:$0x18100] =	vst v63  }
0x5f: {  	_ =	swait.ge [sflag:s23], $0x80  }
0x60: {  	[sflag:s23] =	ssyncset.done $0x0  }
0x61: {  	[sflag:s23] =	ssyncadd.s32 $0xFFFFFF80  }
0x62: {  	[tilespmem:s22], [sflag:$0x1] =	stream.indirect.gather [hbm4b:s4+s24], $0x80, s3, s24, $0xb8;
	[tilespmem:$0x18100] =	vst v63  }
0x63: {  	_ =	swait.ge [sflag:s25], $0x4000  }
0x64: {  	[sflag:s25] =	ssyncset.done $0x0  }
0x65: {  	s31 =	sadd.s32 s28, s20;
	[sflag:s25] =	ssyncadd.s32 $0xFFFFC000  }
0x66: {  	[tilespmem:s24], [sflag:$0x2] =	stream.linear.gather [hbm4b:s31+s3], $0x80, $0x38;
	[tilespmem:$0x18100] =	vst v63  }
0x67: {  	_ =	swait.ge [sflag:s23], $0x80  }
0x68: {  	[sflag:s23] =	ssyncset.done $0x0  }
0x69: {  	[sflag:s23] =	ssyncadd.s32 $0xFFFFFF80  }
0x6a: {  	[spmem:s2] =	stream.indirect.scatter.add.f32 [tilespmem:s22], [sflag:$0x2], $0x80, s24, s24, $0xb8;
	[tilespmem:$0x18100] =	vst v63  }
0x6b: {  	_ =	swait.ge [sflag:s23], $0x4000  }
0x6c: {  	[sflag:s23] =	ssyncset.done $0x0  }
0x6d: {  	[sflag:s23] =	ssyncadd.s32 $0xFFFFC000  }
0x6e: {  	[bflag:$0x0] =	sbarrier.arrive $0xFFFF  }
0x6f: {  	[tilespmem:s22], [sflag:$0x2] =	stream.linear.gather [spmem:s5], $0x4000, $0x38;
	[tilespmem:$0x18100] =	vst v63  }
0x70: {  	_ =	swait.ge [sflag:s23], $0x4000  }
0x71: {  	[sflag:s23] =	ssyncset.done $0x0  }
0x72: {  	[sflag:s23] =	ssyncadd.s32 $0xFFFFC000  }
0x73: {  	[hbm4b:s11+s3] =	stream.linear.scatter [tilespmem:s22], [sflag:$0x2], $0x4000, $0x38;
	[tilespmem:$0x18100] =	vst v63  }
0x74: {  	_ =	swait.ge [sflag:s23], $0x4000  }
0x75: {  	[sflag:s23] =	ssyncset.done $0x0  }
0x76: {  	[sflag:s23] =	ssyncadd.s32 $0xFFFFC000  }
0x77: {  	[tilespmem:s22], [sflag:$0x2] =	stream.linear.gather [spmem:s12], $0x4000, $0x38;
	[tilespmem:$0x18100] =	vst v63  }
0x78: {  	_ =	swait.ge [sflag:s23], $0x4000  }
0x79: {  	[sflag:s23] =	ssyncset.done $0x0  }
0x7a: {  	[sflag:s23] =	ssyncadd.s32 $0xFFFFC000  }
0x7b: {  	[hbm4b:s13+s3] =	stream.linear.scatter [tilespmem:s22], [sflag:$0x2], $0x4000, $0x38;
	[tilespmem:$0x18100] =	vst v63  }
0x7c: {  	_ =	swait.ge [sflag:s23], $0x4000  }
0x7d: {  	[sflag:s23] =	ssyncset.done $0x0  }
0x7e: {  	[sflag:s23] =	ssyncadd.s32 $0xFFFFC000  }
0x7f: {  	[tilespmem:s22], [sflag:$0x2] =	stream.linear.gather [spmem:s14], $0x4000, $0x38;
	[tilespmem:$0x18100] =	vst v63  }
0x80: {  	_ =	swait.ge [sflag:s23], $0x4000  }
0x81: {  	[sflag:s23] =	ssyncset.done $0x0  }
0x82: {  	[sflag:s23] =	ssyncadd.s32 $0xFFFFC000  }
0x83: {  	[hbm4b:s15+s3] =	stream.linear.scatter [tilespmem:s22], [sflag:$0x2], $0x4000, $0x38;
	[tilespmem:$0x18100] =	vst v63  }
0x84: {  	_ =	swait.ge [sflag:s23], $0x4000  }
0x85: {  	[sflag:s23] =	ssyncset.done $0x0  }
0x86: {  	[sflag:s23] =	ssyncadd.s32 $0xFFFFC000  }
0x87: {  	[tilespmem:s22], [sflag:$0x2] =	stream.linear.gather [spmem:s16], $0x4000, $0x38;
	[tilespmem:$0x18100] =	vst v63  }
0x88: {  	_ =	swait.ge [sflag:s23], $0x4000  }
0x89: {  	[sflag:s23] =	ssyncset.done $0x0  }
0x8a: {  	[sflag:s23] =	ssyncadd.s32 $0xFFFFC000  }
0x8b: {  	[hbm4b:s17+s3] =	stream.linear.scatter [tilespmem:s22], [sflag:$0x2], $0x4000, $0x38;
	[tilespmem:$0x18100] =	vst v63  }
0x8c: {  	_ =	swait.ge [sflag:s23], $0x4000  }
0x8d: {  	[sflag:s23] =	ssyncset.done $0x0  }
0x8e: {  	[sflag:s23] =	ssyncadd.s32 $0xFFFFC000  }
0x8f: {  	[tilespmem:s22], [sflag:$0x2] =	stream.linear.gather [spmem:s18], $0x4000, $0x38;
	[tilespmem:$0x18100] =	vst v63  }
0x90: {  	s26 =	sadd.s32 $0x1, s26;
	_ =	swait.ge [sflag:s23], $0x4000  }
0x91: {  	p0 =	sne.s32 s26, s6;
	[sflag:s23] =	ssyncset.done $0x0  }
.Ltmp2:
0x92: {  	[sflag:s23] =	ssyncadd.s32 $0xFFFFC000;
	(pc) =	sbr.rel @p0 .LBB2_1-.Ltmp2, $4  }
0x93: {  	[hbm4b:s19+s3] =	stream.linear.scatter [tilespmem:s22], [sflag:$0x2], $0x4000, $0x38;
	[tilespmem:$0x18100] =	vst v63  }
0x94: {  	_ =	swait.ge [sflag:s23], $0x4000  }
0x95: {  	[sflag:s23] =	ssyncset.done $0x0  }
0x96: {  	[sflag:s23] =	ssyncadd.s32 $0xFFFFC000  }
0x97: {  	_ =	sfence.sel $0x180000  }
0x98: {  	[bflag:$0x0] =	sbarrier.arrive $0xFFFF  }
0x99: {  	_ =	strace $0x9000004A  }
0x9a: {  	[bflag:$0x2] =	sbarrier.arrive $0xFFFF  }
0x9b: {  	p0 =	sne.s32 s1, $0x0;
	s0 =	rddreg [dreg:$0x2]  }
0x9c: {  	s0 =	sadd.s32 @!p0 $0x100000, s0  }
0x9d: {  	[sflag:s0] =	ssyncadd.tile.s32 @!p0 $0x1;
	_ =	shalt  }
.Lfunc_end2:
_tile_overlayer_lowered:
.L_overlay_start_2:
0x9e: {  	(tag) =	ssettag $0x2  }
0x9f: {  	s0 =	rddreg [dreg:$0x0];
	s2 =	stileid.u32  }
0xa0: {  	s1 =	rddreg [dreg:$0x1];
	p0 =	sne.s32 s2, $0x0  }
0xa1: {  	s3 =	rddreg [dreg:$0x2];
	[bflag:$0x3] =	sbarrier.arrive $0xFFFF;
	s2 =	simm.s32 @!p0 $0x1C02  }
0xa2: {  	[timem:s3], [sflag:s2] =	dma.local @!p0 [hbm:s0], s1  }
0xa3: {  	s0 =	simm.s32 @!p0 $0x2  }
0xa4: {  	_ =	swait.ge @!p0 [sflag:s0], s1  }
0xa5: {  	s1 =	ssub.s32 @!p0 $0x0, s1;
	[sflag:s0] =	ssyncset.done @!p0 $0x0  }
0xa6: {  	[sflag:s0] =	ssyncadd.s32 @!p0 s1  }
0xa7: {  	[bflag:$0x3] =	sbarrier.arrive $0xFFFF  }
0xa8: {  	_ =	shalt  }

// kernel: kernel.14.cloned.1.call-start
scs
__scs_entry_jumppad:
0x0: {  	(pc) =	sbr.rel $0x88, $3  }
0x1: {  	(tag) =	ssettag $0x0;
	lr =	simm.s32 $0x1  }
0x2: {  	[smem:$0x3F99] =	sst lr;
	_ =	strace $0xD0000000  }
0x3: {  	_ = 	snop  }
0x4: {  	_ = 	snop  }
0x5: {  	_ = 	snop  }
0x6: {  	_ = 	snop  }
0x7: {  	_ = 	snop  }
__scs_overlays_trampoline_lowered:
0x8: {  	[smem:$0x3FA8] =	sst s0  }
0x9: {  	[smem:$0x3FA9] =	sst s1  }
0xa: {  	[smem:$0x3FAA] =	sst s2  }
0xb: {  	[smem:$0x3FAB] =	sst s3  }
0xc: {  	[smem:$0x3FAC] =	sst s4  }
0xd: {  	[smem:$0x3FAD] =	sst s5  }
0xe: {  	[smem:$0x3FAE] =	sst s6  }
0xf: {  	[smem:$0x3FAF] =	sst s7  }
0x10: {  	[smem:$0x3FB0] =	sst s8  }
0x11: {  	[smem:$0x3FB1] =	sst s9;
	s0 =	simm.s32 @!p0 $0x0  }
0x12: {  	s1 =	sld [smem:$0x3F97];
	s0 =	simm.s32 @p0 $0x1  }
0x13: {  	[smem:$0x3FB2] =	sst s0;
	s0 =	simm.s32 @!p1 $0x0  }
0x14: {  	s2 =	sld [smem:$0x3F96];
	s0 =	simm.s32 @p1 $0x1  }
0x15: {  	[smem:$0x3FB3] =	sst s0;
	s0 =	simm.s32 @!p2 $0x0  }
0x16: {  	s3 =	sld [smem:$0x3FDB];
	s0 =	simm.s32 @p2 $0x1  }
0x17: {  	s4 =	simm.s32 $0x1BF5;
	[smem:$0x3FB5] =	sst s0  }
0x18: {  	s0 =	sld [smem:$0x3F98];
	_ =	swait.ge [sflag:s4], $0x0  }
0x19: {  	s7 =	sld [smem:$0x3F99]  }
0x1a: {  	s8 =	sadd.s32 $0xFFFFE003, lr  }
0x1b: {  	s9 =	sadd.s32 $0xFFFFFEF7, lr;
	s5 =	simm.s32 $0xFFFFFFFF;
	p2 =	slt.u32 s8, $0xFFFFF086  }
0x1c: {  	p1 =	slt.u32 s9, $0xF7A;
	s5 =	simm.s32 @!p2 $0x0  }
0x1d: {  	s5 =	simm.s32 @p1 $0x1;
	p0 =	seq.s32 s7, s2  }
0x1e: {  	s7 =	smul.u32 @!p0 $0xF7A, s2;
	p2 =	seq.s32 @!p0 s5, $0x0  }
0x1f: {  	s9 =	smul.u32 $0xF7A, s1;
	s8 =	simm.s32 @!p0 $0x1BF5;
	p2 =	por !p2, p0  }
0x20: {  	[sflag:s8] =	ssyncset.s32 @!p0 $0xFFFFF086;
	s6 =	sadd.s32 @!p0 s3, s7;
	s7 =	simm.s32 @!p0 $0x108  }
0x21: {  	s3 =	sadd.s32 s3, s9;
	s6 =	sadd.s32 @!p0 $0x88, s6;
	s7 =	simm.s32 @p2 $0x1082  }
0x22: {  	[simem:s7], [sflag:s8] =	dma.local @!p0 [hbm:s6], $0xF7A  }
0x23: {  	s9 =	sor.u32 $0xD0000000, s2;
	s6 =	simm.s32 $0x108;
	_ =	swait.ge @!p0 [sflag:s8], $0x0  }
0x24: {  	s3 =	sadd.s32 $0x88, s3;
	s6 =	simm.s32 @!p1 $0x1082;
	[sflag:s4] =	ssyncset.s32 $0xFFFFF086  }
0x25: {  	[simem:s6], [sflag:s4] =	dma.local [hbm:s3], $0xF7A  }
0x26: {  	[smem:$0x3F99] =	sst s1;
	(tag) =	ssettag s2;
	_ =	strace s9  }
0x27: {  	s1 =	sld [smem:$0x3FA9]  }
0x28: {  	s2 =	sld [smem:$0x3FAA]  }
0x29: {  	s4 =	sld [smem:$0x3FAC]  }
0x2a: {  	p0 =	seq.s32 s5, $0x0;
	s5 =	sld [smem:$0x3FAD]  }
0x2b: {  	s6 =	sld [smem:$0x3FAE]  }
0x2c: {  	s7 =	sld [smem:$0x3FAF]  }
0x2d: {  	s3 =	simm.s32 $0x108;
	s8 =	sld [smem:$0x3FB0]  }
0x2e: {  	s3 =	simm.s32 @!p0 $0x1082;
	s9 =	sld [smem:$0x3FB1]  }
0x2f: {  	lr =	sadd.s32 s0, s3;
	s0 =	sld [smem:$0x3FA8]  }
0x30: {  	s3 =	sld [smem:$0x3FAB]  }
0x31: {  	[smem:$0x3FB4] =	sst s10  }
0x32: {  	s10 =	sld [smem:$0x3FB2];
	_ =	sdelay $0x3  }
0x33: {  	p0 =	seq.s32 s10, $0x1;
	s10 =	sld [smem:$0x3FB4];
	_ =	sdelay $0x3  }
0x34: {  	[smem:$0x3FB4] =	sst s10  }
0x35: {  	s10 =	sld [smem:$0x3FB3];
	_ =	sdelay $0x3  }
0x36: {  	p1 =	seq.s32 s10, $0x1;
	s10 =	sld [smem:$0x3FB4];
	_ =	sdelay $0x3  }
0x37: {  	[smem:$0x3FB4] =	sst s10  }
0x38: {  	s10 =	sld [smem:$0x3FB5]  }
0x39: {  	_ = 	snop;
	(pc) =	sbr.ind lr, $3  }
0x3a: {  	_ = 	snop  }
0x3b: {  	_ = 	snop  }
0x3c: {  	p2 =	seq.s32 s10, $0x1;
	s10 =	sld [smem:$0x3FB4]  }
0x3d: {  	_ =	shalt  }
0x3e: {  	_ =	shalt  }
0x3f: {  	_ =	shalt  }
0x40: {  	_ =	shalt  }
0x41: {  	_ =	shalt  }
0x42: {  	_ =	shalt  }
0x43: {  	_ =	shalt  }
0x44: {  	_ =	shalt  }
0x45: {  	_ =	shalt  }
0x46: {  	_ =	shalt  }
0x47: {  	_ =	shalt  }
0x48: {  	_ =	shalt  }
0x49: {  	_ =	shalt  }
0x4a: {  	_ =	shalt  }
0x4b: {  	_ =	shalt  }
0x4c: {  	_ =	shalt  }
0x4d: {  	_ =	shalt  }
0x4e: {  	_ =	shalt  }
0x4f: {  	_ =	shalt  }
0x50: {  	_ =	shalt  }
0x51: {  	_ =	shalt  }
0x52: {  	_ =	shalt  }
0x53: {  	_ =	shalt  }
0x54: {  	_ =	shalt  }
0x55: {  	_ =	shalt  }
0x56: {  	_ =	shalt  }
0x57: {  	_ =	shalt  }
0x58: {  	_ =	shalt  }
0x59: {  	_ =	shalt  }
0x5a: {  	_ =	shalt  }
0x5b: {  	_ =	shalt  }
0x5c: {  	_ =	shalt  }
0x5d: {  	_ =	shalt  }
0x5e: {  	_ =	shalt  }
0x5f: {  	_ =	shalt  }
0x60: {  	_ =	shalt  }
0x61: {  	_ =	shalt  }
0x62: {  	_ =	shalt  }
0x63: {  	_ =	shalt  }
0x64: {  	_ =	shalt  }
0x65: {  	_ =	shalt  }
0x66: {  	_ =	shalt  }
0x67: {  	_ =	shalt  }
0x68: {  	_ =	shalt  }
0x69: {  	_ =	shalt  }
0x6a: {  	_ =	shalt  }
0x6b: {  	_ =	shalt  }
0x6c: {  	_ =	shalt  }
0x6d: {  	_ =	shalt  }
0x6e: {  	_ =	shalt  }
0x6f: {  	_ =	shalt  }
0x70: {  	_ =	shalt  }
0x71: {  	_ =	shalt  }
0x72: {  	_ =	shalt  }
0x73: {  	_ =	shalt  }
0x74: {  	_ =	shalt  }
0x75: {  	_ =	shalt  }
0x76: {  	_ =	shalt  }
0x77: {  	_ =	shalt  }
0x78: {  	_ =	shalt  }
0x79: {  	_ =	shalt  }
0x7a: {  	_ =	shalt  }
0x7b: {  	_ =	shalt  }
0x7c: {  	_ =	shalt  }
0x7d: {  	_ =	shalt  }
0x7e: {  	_ =	shalt  }
0x7f: {  	_ =	shalt  }
0x80: {  	_ =	shalt  }
0x81: {  	_ =	shalt  }
0x82: {  	_ =	shalt  }
0x83: {  	_ =	shalt  }
0x84: {  	_ =	shalt  }
0x85: {  	_ =	shalt  }
0x86: {  	_ =	shalt  }
0x87: {  	_ =	shalt  }
.Lfunc_end0:
.L_simem_size_0:
called_computation.2_lowered:
.L_overlay_start_0:
0x88: {  	s2 =	sld [smem:$0x3FD9]  }
0x89: {  	s3 =	sld [smem:$0x3FFE];
	_ =	sdelay $0x1  }
0x8a: {  	s1 =	srdreg.scid  }
0x8b: {  	s0 =	sand.u32 $0x1, s1  }
0x8c: {  	s16 =	sshll.u32 s0, $0xA;
	s2 =	sadd.s32 s3, s2  }
0x8d: {  	s2 =	sadd.s32 s2, s16  }
0x8e: {  	[smem:$0x3FC0] =	sst s2  }
0x8f: {  	_ = 	snop  }
0x90: {  	(tm) =	ssettm $0x1  }
0x91: {  	s17 =	sld [smem:$0x3FFB];
	_ =	sdelay $0x3  }
0x92: {  	_ =	strace s17  }
0x93: {  	s2 =	sld [smem:$0x3FFC];
	_ =	sdelay $0x3  }
0x94: {  	_ =	strace s2  }
0x95: {  	s2 =	sld [smem:$0x3FFD];
	_ =	sdelay $0x3  }
0x96: {  	_ =	strace s2  }
0x97: {  	_ =	strace $0x8FFFFFFF  }
0x98: {  	s18 =	sld [smem:$0x3FDB];
	_ =	sdelay $0x1  }
0x99: {  	s19 =	simm.s32 $_scs_section_size  }
0x9a: {  	s4 =	simm.s32 $_size__tile_overlayer_lowered;
	s5 =	simm.s32 $_tile_overlayer_lowered  }
0x9b: {  	s22 =	simm.s32 $0x1BFF;
	s21 =	sshll.u32 s5, $0x1;
	s2 =	sadd.s32 s19, s18  }
0x9c: {  	s6 =	simm.s32 $0x0;
	s20 =	sshll.u32 s4, $0x1;
	s4 =	sadd.s32 s21, s2  }
0x9d: {  	[timem:s6], [sflag:s22] =	dma.local [hbm:s4], s20  }
0x9e: {  	_ =	swait.ge [sflag:s22], s20  }
0x9f: {  	s3 =	ssub.s32 $0x0, s20;
	[sflag:s22] =	ssyncset.done $0x0  }
0xa0: {  	[sflag:s22] =	ssyncadd.s32 s3;
	_ =	sdelay $0x1  }
0xa1: {  	s23 =	simm.s32 $0x1B8B  }
0xa2: {  	_ =	swait.ge [sflag:s23], $0x1  }
0xa3: {  	[sflag:s23] =	ssyncset.done $0x0  }
0xa4: {  	s25 =	simm.s32 $0x1B8E;
	s24 =	sld [smem:$0x3FFE];
	[sflag:s23] =	ssyncadd.s32 $0xFFFFFFFF  }
0xa5: {  	s26 =	simm.s32 $execute0_lowered;
	[smem:$0x3FD2] =	sst s25  }
0xa6: {  	s4 =	sshll.u32 s26, $0x1;
	_ =	strace $0x8000004C;
	[dreg:$0x1] =	wrdreg $0xFFFFFFFF  }
0xa7: {  	s28 =	simm.s32 $_size_execute0_lowered;
	s2 =	sadd.s32 s2, s4;
	[dreg:$0x0] =	wrdreg $0x0  }
0xa8: {  	s4 =	sshll.u32 s28, $0x1;
	[dreg:$0x2] =	wrdreg s2  }
0xa9: {  	[dreg:$0x3] =	wrdreg s4  }
0xaa: {  	[dreg:$0x4] =	wrdreg $0xC0  }
0xab: {  	_ =	task [dreg:s6], $0x5FFFF  }
0xac: {  	[dreg:$0x1] =	wrdreg $0xFFFFFFFF  }
0xad: {  	[dreg:$0x0] =	wrdreg $0x60  }
0xae: {  	[dreg:$0x2] =	wrdreg s24  }
0xaf: {  	[dreg:$0x3] =	wrdreg $0x41000  }
0xb0: {  	[dreg:$0x4] =	wrdreg $0x9  }
0xb1: {  	_ =	task.clear_ibuf [dreg:s6], $0x5FFFF;
	_ =	strace $0x9000004C  }
0xb2: {  	s29 =	simm.s32 $0x9;
	_ =	strace $0x8000004E  }
0xb3: {  	_ =	swait.ge [sflag:s29], $0x1  }
0xb4: {  	[sflag:s29] =	ssyncadd.s32 $0xFFFFFFFF  }
0xb5: {  	_ =	strace $0x9000004E  }
0xb6: {  	_ =	sfence  }
0xb7: {  	s30 =	sld [smem:$0x0];
	_ =	sdelay $0x2  }
0xb8: {  	s31 =	sshll.u32 s1, $0xD;
	s1 =	sshrl.u32 s1, $0x2  }
0xb9: {  	s3 =	sand.u32 $0x4000, s31;
	s1 =	sadd.s32 s1, s30  }
0xba: {  	s0 =	sor.u32 s3, s0;
	s1 =	sshll.u32 s1, $0x11  }
0xbb: {  	s0 =	sor.u32 s1, s0  }
0xbc: {  	s0 =	sadd.s32 $0x8F2B, s0  }
0xbd: {  	[sflag:s0] =	ssyncadd.remote.s32 $0x1  }
0xbe: {  	_ =	sfence.sel $0xFFFF  }
0xbf: {  	[dreg:$0x0] =	wrdreg $0xFFFFFFFF;
	(pc) =	sbr.abs _section_cstart, $3  }
0xc0: {  	[dreg:$0x1] =	wrdreg $0xFFFFFFFF  }
0xc1: {  	_ =	task.clear_ibuf [dreg:s6], $0x2FFFF;
	_ =	strace $0x9FFFFFFF  }
0xc2: {  	(tm) =	ssettm $0x7FFFFFFF  }
0xc3: {  	_ =	shalt  }
tec
execute0_lowered:
.L_overlay_start_1:
0x0: {  	(tag) =	ssettag $0x1  }
0x1: {  	s6 =	rddreg [dreg:$0x0]  }
0x2: {  	s2 =	rddreg [dreg:$0x1]  }
0x3: {  	s3 =	simm.s32 $0x0;
	s1 =	stileid.u32;
	s4 =	srdreg.scid  }
0x4: {  	[smem:$0x7FF] =	sst s3;
	s5 =	smul.u32 $0x9E0, s1  }
0x5: {  	s16 =	sand.u32 $0x1, s4;
	s7 =	smul.u32 $0x50000, s1;
	s4 =	sadd.s32 $0x1FC00, s6  }
0x6: {  	s17 =	smul.u32 $0x280, s1;
	s20 =	sadd.s32 $0x47C00, s6;
	_ =	strace $0x8000004D  }
0x7: {  	s24 =	ssub.s32 $0x2, s16;
	s19 =	smul.u32 $0x2800, s16;
	s18 =	sadd.s32 s5, s6  }
0x8: {  	s8 =	sshrl.u32 s24, $0x1;
	s7 =	sshrl.u32 s7, $0x2;
	s12 =	sadd.s32 $0x80, s17  }
0x9: {  	s26 =	sadd.s32 $0x100, s17;
	s29 =	sadd.s32 $0x180, s17;
	s23 =	sadd.s32 $0x200, s17  }
0xa: {  	s8 =	ssub.s32 s24, s8;
	s5 =	sadd.s32 s7, s2;
	s11 =	sadd.s32 s19, s17  }
0xb: {  	s13 =	sshll.u32 s12, $0x7;
	s14 =	sadd.s32 s19, s12;
	s15 =	sshll.u32 s26, $0x7  }
0xc: {  	s21 =	sadd.s32 s19, s26;
	s22 =	sshll.u32 s29, $0x7;
	s24 =	smul.u32 $0x4F0, s16  }
0xd: {  	s30 =	sshll.u32 s23, $0x7;
	s26 =	simm.s32 $0x0;
	s6 =	smax.u32 s8, $0x1  }
0xe: {  	s7 =	sadd.s32 $0x4000, s5;
	s8 =	sadd.s32 $0x8000, s5;
	s9 =	sadd.s32 $0xC000, s5  }
0xf: {  	s10 =	sadd.s32 $0x10000, s5;
	s11 =	sshll.u32 s11, $0x4;
	s12 =	sadd.s32 s13, s2  }
0x10: {  	s25 =	sshll.u32 s14, $0x4;
	s14 =	sadd.s32 s15, s2;
	s28 =	sshll.u32 s21, $0x4  }
0x11: {  	s21 =	sadd.s32 s19, s29;
	s16 =	sadd.s32 s22, s2;
	s19 =	sadd.s32 s19, s23  }
0x12: {  	s22 =	simm.s32 $0x100;
	s23 =	simm.s32 $0x2;
	s11 =	sadd.s32 s20, s11  }
0x13: {  	s13 =	sadd.s32 s20, s25;
	s15 =	sadd.s32 s20, s28;
	s21 =	sshll.u32 s21, $0x4  }
0x14: {  	s19 =	sshll.u32 s19, $0x4;
	s31 =	sadd.s32 s24, s18;
	s18 =	sadd.s32 s30, s2  }
0x15: {  	s24 =	simm.s32 $0x80;
	s25 =	simm.s32 $0x1;
	s17 =	sadd.s32 s20, s21  }
0x16: {  	v0 =	vimm.f32 $0.0e+00;
	s19 =	sadd.s32 s20, s19;
	s20 =	sadd.s32 $0x2000, s31;
	s21 =	sadd.s32 $0x15E00, s31  }
.LBB2_1:
0x17: {  	s28 =	simm.s32 $0x0;
	s29 =	simm.s32 $0x200  }
.LBB2_2:
0x18: {  	p0 =	sne.s32 s29, $0xFE00;
	[tilespmem:s28+$0x170] =	vst v0  }
0x19: {  	[tilespmem:s28+$0x100] =	vst v0  }
0x1a: {  	[tilespmem:s28+$0x110] =	vst v0  }
.Ltmp0:
0x1b: {  	[tilespmem:s28+$0x120] =	vst v0;
	(pc) =	sbr.rel @p0 .LBB2_2-.Ltmp0, $4  }
0x1c: {  	[tilespmem:s28+$0x130] =	vst v0  }
0x1d: {  	[tilespmem:s28+$0x140] =	vst v0  }
0x1e: {  	[tilespmem:s28+$0x150] =	vst v0  }
0x1f: {  	[tilespmem:s28+$0x160] =	vst v0;
	s28 =	sshra.s32 s29, $0x2;
	s29 =	sadd.s32 $0x200, s29  }
0x20: {  	[tilespmem:s28+$0x170] =	vst v0  }
0x21: {  	[tilespmem:s28+$0x100] =	vst v0  }
0x22: {  	[tilespmem:s28+$0x110] =	vst v0  }
0x23: {  	[tilespmem:s28+$0x120] =	vst v0  }
0x24: {  	[tilespmem:s28+$0x130] =	vst v0  }
0x25: {  	[tilespmem:s28+$0x140] =	vst v0  }
0x26: {  	[tilespmem:s28+$0x150] =	vst v0  }
0x27: {  	[tilespmem:s28+$0x160] =	vst v0  }
0x28: {  	[spmem:s5] =	stream.linear.scatter [tilespmem:s22], [sflag:$0x2], $0x4000, $0x38;
	[tilespmem:$0x18100] =	vst v63  }
0x29: {  	_ =	swait.ge [sflag:s23], $0x4000  }
0x2a: {  	[sflag:s23] =	ssyncset.done $0x0  }
0x2b: {  	[sflag:s23] =	ssyncadd.s32 $0xFFFFC000  }
0x2c: {  	[spmem:s7] =	stream.linear.scatter [tilespmem:s22], [sflag:$0x2], $0x4000, $0x38;
	[tilespmem:$0x18100] =	vst v63  }
0x2d: {  	_ =	swait.ge [sflag:s23], $0x4000  }
0x2e: {  	[sflag:s23] =	ssyncset.done $0x0  }
0x2f: {  	[sflag:s23] =	ssyncadd.s32 $0xFFFFC000  }
0x30: {  	[spmem:s8] =	stream.linear.scatter [tilespmem:s22], [sflag:$0x2], $0x4000, $0x38;
	[tilespmem:$0x18100] =	vst v63  }
0x31: {  	_ =	swait.ge [sflag:s23], $0x4000  }
0x32: {  	[sflag:s23] =	ssyncset.done $0x0  }
0x33: {  	[sflag:s23] =	ssyncadd.s32 $0xFFFFC000  }
0x34: {  	[spmem:s9] =	stream.linear.scatter [tilespmem:s22], [sflag:$0x2], $0x4000, $0x38;
	[tilespmem:$0x18100] =	vst v63  }
0x35: {  	_ =	swait.ge [sflag:s23], $0x4000  }
0x36: {  	[sflag:s23] =	ssyncset.done $0x0  }
0x37: {  	[sflag:s23] =	ssyncadd.s32 $0xFFFFC000  }
0x38: {  	[spmem:s10] =	stream.linear.scatter [tilespmem:s22], [sflag:$0x2], $0x4000, $0x38;
	[tilespmem:$0x18100] =	vst v63  }
0x39: {  	_ =	swait.ge [sflag:s23], $0x4000  }
0x3a: {  	[sflag:s23] =	ssyncset.done $0x0  }
0x3b: {  	[sflag:s23] =	ssyncadd.s32 $0xFFFFC000  }
0x3c: {  	s28 =	sadd.s32 $0x0, s21;
	[bflag:$0x0] =	sbarrier.arrive $0xFFFF  }
0x3d: {  	[tilespmem:s3], [sflag:$0x2] =	stream.linear.gather [hbm4b:s28+s3], $0x80, $0x38;
	[tilespmem:$0x18100] =	vst v63  }
0x3e: {  	_ =	swait.ge [sflag:s23], $0x80  }
0x3f: {  	[sflag:s23] =	ssyncset.done $0x0  }
0x40: {  	[sflag:s23] =	ssyncadd.s32 $0xFFFFFF80  }
0x41: {  	[tilespmem:s22], [sflag:$0x1] =	stream.indirect.gather [hbm4b:s4+s24], $0x80, s3, s24, $0xb8;
	[tilespmem:$0x18100] =	vst v63  }
0x42: {  	_ =	swait.ge [sflag:s25], $0x4000  }
0x43: {  	[sflag:s25] =	ssyncset.done $0x0  }
0x44: {  	s28 =	sadd.s32 $0x0, s20;
	[sflag:s25] =	ssyncadd.s32 $0xFFFFC000  }
0x45: {  	[tilespmem:s24], [sflag:$0x2] =	stream.linear.gather [hbm4b:s28+s3], $0x80, $0x38;
	[tilespmem:$0x18100] =	vst v63  }
0x46: {  	_ =	swait.ge [sflag:s23], $0x80  }
0x47: {  	[sflag:s23] =	ssyncset.done $0x0  }
0x48: {  	[sflag:s23] =	ssyncadd.s32 $0xFFFFFF80  }
0x49: {  	[spmem:s2] =	stream.indirect.scatter.add.f32 [tilespmem:s22], [sflag:$0x2], $0x80, s24, s24, $0xb8;
	[tilespmem:$0x18100] =	vst v63  }
0x4a: {  	_ =	swait.ge [sflag:s23], $0x4000  }
0x4b: {  	s29 =	simm.s32 $0x20;
	s28 =	simm.s32 $0x10;
	[sflag:s23] =	ssyncset.done $0x0  }
.LBB2_4:
0x4c: {  	s30 =	sadd.s32 s28, s21  }
0x4d: {  	[sflag:s23] =	ssyncadd.s32 $0xFFFFC000;
	s31 =	smov.u32 s29;
	s0 =	sadd.s32 $0x10, s29  }
0x4e: {  	[tilespmem:s3], [sflag:$0x2] =	stream.linear.gather [hbm4b:s30+s3], $0x80, $0x38;
	[tilespmem:$0x18100] =	vst v63  }
0x4f: {  	p0 =	sne.s32 s29, $0x4E0;
	_ =	swait.ge [sflag:s23], $0x80  }
0x50: {  	[sflag:s23] =	ssyncset.done $0x0  }
0x51: {  	[sflag:s23] =	ssyncadd.s32 $0xFFFFFF80  }
0x52: {  	[tilespmem:s22], [sflag:$0x1] =	stream.indirect.gather [hbm4b:s4+s24], $0x80, s3, s24, $0xb8;
	[tilespmem:$0x18100] =	vst v63  }
0x53: {  	_ =	swait.ge [sflag:s25], $0x4000  }
0x54: {  	[sflag:s25] =	ssyncset.done $0x0  }
0x55: {  	s29 =	sadd.s32 s28, s20;
	s28 =	smov.u32 s31;
	[sflag:s25] =	ssyncadd.s32 $0xFFFFC000  }
0x56: {  	[tilespmem:s24], [sflag:$0x2] =	stream.linear.gather [hbm4b:s29+s3], $0x80, $0x38;
	[tilespmem:$0x18100] =	vst v63  }
0x57: {  	_ =	swait.ge [sflag:s23], $0x80  }
.Ltmp1:
0x58: {  	[sflag:s23] =	ssyncset.done $0x0;
	(pc) =	sbr.rel @p0 .LBB2_4-.Ltmp1, $4  }
0x59: {  	[sflag:s23] =	ssyncadd.s32 $0xFFFFFF80  }
0x5a: {  	[spmem:s2] =	stream.indirect.scatter.add.f32 [tilespmem:s22], [sflag:$0x2], $0x80, s24, s24, $0xb8;
	[tilespmem:$0x18100] =	vst v63  }
0x5b: {  	_ =	swait.ge [sflag:s23], $0x4000  }
0x5c: {  	s29 =	smov.u32 s0;
	[sflag:s23] =	ssyncset.done $0x0  }
0x5d: {  	s0 =	sadd.s32 s28, s21;
	[sflag:s23] =	ssyncadd.s32 $0xFFFFC000  }
0x5e: {  	[tilespmem:s3], [sflag:$0x2] =	stream.linear.gather [hbm4b:s0+s3], $0x80, $0x38;
	[tilespmem:$0x18100] =	vst v63  }
0x5f: {  	_ =	swait.ge [sflag:s23], $0x80  }
0x60: {  	[sflag:s23] =	ssyncset.done $0x0  }
0x61: {  	[sflag:s23] =	ssyncadd.s32 $0xFFFFFF80  }
0x62: {  	[tilespmem:s22], [sflag:$0x1] =	stream.indirect.gather [hbm4b:s4+s24], $0x80, s3, s24, $0xb8;
	[tilespmem:$0x18100] =	vst v63  }
0x63: {  	_ =	swait.ge [sflag:s25], $0x4000  }
0x64: {  	[sflag:s25] =	ssyncset.done $0x0  }
0x65: {  	s31 =	sadd.s32 s28, s20;
	[sflag:s25] =	ssyncadd.s32 $0xFFFFC000  }
0x66: {  	[tilespmem:s24], [sflag:$0x2] =	stream.linear.gather [hbm4b:s31+s3], $0x80, $0x38;
	[tilespmem:$0x18100] =	vst v63  }
0x67: {  	_ =	swait.ge [sflag:s23], $0x80  }
0x68: {  	[sflag:s23] =	ssyncset.done $0x0  }
0x69: {  	[sflag:s23] =	ssyncadd.s32 $0xFFFFFF80  }
0x6a: {  	[spmem:s2] =	stream.indirect.scatter.add.f32 [tilespmem:s22], [sflag:$0x2], $0x80, s24, s24, $0xb8;
	[tilespmem:$0x18100] =	vst v63  }
0x6b: {  	_ =	swait.ge [sflag:s23], $0x4000  }
0x6c: {  	[sflag:s23] =	ssyncset.done $0x0  }
0x6d: {  	[sflag:s23] =	ssyncadd.s32 $0xFFFFC000  }
0x6e: {  	[bflag:$0x0] =	sbarrier.arrive $0xFFFF  }
0x6f: {  	[tilespmem:s22], [sflag:$0x2] =	stream.linear.gather [spmem:s5], $0x4000, $0x38;
	[tilespmem:$0x18100] =	vst v63  }
0x70: {  	_ =	swait.ge [sflag:s23], $0x4000  }
0x71: {  	[sflag:s23] =	ssyncset.done $0x0  }
0x72: {  	[sflag:s23] =	ssyncadd.s32 $0xFFFFC000  }
0x73: {  	[hbm4b:s11+s3] =	stream.linear.scatter [tilespmem:s22], [sflag:$0x2], $0x4000, $0x38;
	[tilespmem:$0x18100] =	vst v63  }
0x74: {  	_ =	swait.ge [sflag:s23], $0x4000  }
0x75: {  	[sflag:s23] =	ssyncset.done $0x0  }
0x76: {  	[sflag:s23] =	ssyncadd.s32 $0xFFFFC000  }
0x77: {  	[tilespmem:s22], [sflag:$0x2] =	stream.linear.gather [spmem:s12], $0x4000, $0x38;
	[tilespmem:$0x18100] =	vst v63  }
0x78: {  	_ =	swait.ge [sflag:s23], $0x4000  }
0x79: {  	[sflag:s23] =	ssyncset.done $0x0  }
0x7a: {  	[sflag:s23] =	ssyncadd.s32 $0xFFFFC000  }
0x7b: {  	[hbm4b:s13+s3] =	stream.linear.scatter [tilespmem:s22], [sflag:$0x2], $0x4000, $0x38;
	[tilespmem:$0x18100] =	vst v63  }
0x7c: {  	_ =	swait.ge [sflag:s23], $0x4000  }
0x7d: {  	[sflag:s23] =	ssyncset.done $0x0  }
0x7e: {  	[sflag:s23] =	ssyncadd.s32 $0xFFFFC000  }
0x7f: {  	[tilespmem:s22], [sflag:$0x2] =	stream.linear.gather [spmem:s14], $0x4000, $0x38;
	[tilespmem:$0x18100] =	vst v63  }
0x80: {  	_ =	swait.ge [sflag:s23], $0x4000  }
0x81: {  	[sflag:s23] =	ssyncset.done $0x0  }
0x82: {  	[sflag:s23] =	ssyncadd.s32 $0xFFFFC000  }
0x83: {  	[hbm4b:s15+s3] =	stream.linear.scatter [tilespmem:s22], [sflag:$0x2], $0x4000, $0x38;
	[tilespmem:$0x18100] =	vst v63  }
0x84: {  	_ =	swait.ge [sflag:s23], $0x4000  }
0x85: {  	[sflag:s23] =	ssyncset.done $0x0  }
0x86: {  	[sflag:s23] =	ssyncadd.s32 $0xFFFFC000  }
0x87: {  	[tilespmem:s22], [sflag:$0x2] =	stream.linear.gather [spmem:s16], $0x4000, $0x38;
	[tilespmem:$0x18100] =	vst v63  }
0x88: {  	_ =	swait.ge [sflag:s23], $0x4000  }
0x89: {  	[sflag:s23] =	ssyncset.done $0x0  }
0x8a: {  	[sflag:s23] =	ssyncadd.s32 $0xFFFFC000  }
0x8b: {  	[hbm4b:s17+s3] =	stream.linear.scatter [tilespmem:s22], [sflag:$0x2], $0x4000, $0x38;
	[tilespmem:$0x18100] =	vst v63  }
0x8c: {  	_ =	swait.ge [sflag:s23], $0x4000  }
0x8d: {  	[sflag:s23] =	ssyncset.done $0x0  }
0x8e: {  	[sflag:s23] =	ssyncadd.s32 $0xFFFFC000  }
0x8f: {  	[tilespmem:s22], [sflag:$0x2] =	stream.linear.gather [spmem:s18], $0x4000, $0x38;
	[tilespmem:$0x18100] =	vst v63  }
0x90: {  	s26 =	sadd.s32 $0x1, s26;
	_ =	swait.ge [sflag:s23], $0x4000  }
0x91: {  	p0 =	sne.s32 s26, s6;
	[sflag:s23] =	ssyncset.done $0x0  }
.Ltmp2:
0x92: {  	[sflag:s23] =	ssyncadd.s32 $0xFFFFC000;
	(pc) =	sbr.rel @p0 .LBB2_1-.Ltmp2, $4  }
0x93: {  	[hbm4b:s19+s3] =	stream.linear.scatter [tilespmem:s22], [sflag:$0x2], $0x4000, $0x38;
	[tilespmem:$0x18100] =	vst v63  }
0x94: {  	_ =	swait.ge [sflag:s23], $0x4000  }
0x95: {  	[sflag:s23] =	ssyncset.done $0x0  }
0x96: {  	[sflag:s23] =	ssyncadd.s32 $0xFFFFC000  }
0x97: {  	_ =	sfence.sel $0x180000  }
0x98: {  	[bflag:$0x0] =	sbarrier.arrive $0xFFFF  }
0x99: {  	_ =	strace $0x9000004D  }
0x9a: {  	[bflag:$0x2] =	sbarrier.arrive $0xFFFF  }
0x9b: {  	p0 =	sne.s32 s1, $0x0;
	s0 =	rddreg [dreg:$0x2]  }
0x9c: {  	s0 =	sadd.s32 @!p0 $0x100000, s0  }
0x9d: {  	[sflag:s0] =	ssyncadd.tile.s32 @!p0 $0x1;
	_ =	shalt  }
.Lfunc_end2:
_tile_overlayer_lowered:
.L_overlay_start_2:
0x9e: {  	(tag) =	ssettag $0x2  }
0x9f: {  	s0 =	rddreg [dreg:$0x0];
	s2 =	stileid.u32  }
0xa0: {  	s1 =	rddreg [dreg:$0x1];
	p0 =	sne.s32 s2, $0x0  }
0xa1: {  	s3 =	rddreg [dreg:$0x2];
	[bflag:$0x3] =	sbarrier.arrive $0xFFFF;
	s2 =	simm.s32 @!p0 $0x1C02  }
0xa2: {  	[timem:s3], [sflag:s2] =	dma.local @!p0 [hbm:s0], s1  }
0xa3: {  	s0 =	simm.s32 @!p0 $0x2  }
0xa4: {  	_ =	swait.ge @!p0 [sflag:s0], s1  }
0xa5: {  	s1 =	ssub.s32 @!p0 $0x0, s1;
	[sflag:s0] =	ssyncset.done @!p0 $0x0  }
0xa6: {  	[sflag:s0] =	ssyncadd.s32 @!p0 s1  }
0xa7: {  	[bflag:$0x3] =	sbarrier.arrive $0xFFFF  }
0xa8: {  	_ =	shalt  }

// kernel: kernel.8.cloned.1.call-start
scs
__scs_entry_jumppad:
0x0: {  	(pc) =	sbr.rel $0x88, $3  }
0x1: {  	(tag) =	ssettag $0x0;
	lr =	simm.s32 $0x1  }
0x2: {  	[smem:$0x3F99] =	sst lr;
	_ =	strace $0xD0000000  }
0x3: {  	_ = 	snop  }
0x4: {  	_ = 	snop  }
0x5: {  	_ = 	snop  }
0x6: {  	_ = 	snop  }
0x7: {  	_ = 	snop  }
__scs_overlays_trampoline_lowered:
0x8: {  	[smem:$0x3FA8] =	sst s0  }
0x9: {  	[smem:$0x3FA9] =	sst s1  }
0xa: {  	[smem:$0x3FAA] =	sst s2  }
0xb: {  	[smem:$0x3FAB] =	sst s3  }
0xc: {  	[smem:$0x3FAC] =	sst s4  }
0xd: {  	[smem:$0x3FAD] =	sst s5  }
0xe: {  	[smem:$0x3FAE] =	sst s6  }
0xf: {  	[smem:$0x3FAF] =	sst s7  }
0x10: {  	[smem:$0x3FB0] =	sst s8  }
0x11: {  	[smem:$0x3FB1] =	sst s9;
	s0 =	simm.s32 @!p0 $0x0  }
0x12: {  	s1 =	sld [smem:$0x3F97];
	s0 =	simm.s32 @p0 $0x1  }
0x13: {  	[smem:$0x3FB2] =	sst s0;
	s0 =	simm.s32 @!p1 $0x0  }
0x14: {  	s2 =	sld [smem:$0x3F96];
	s0 =	simm.s32 @p1 $0x1  }
0x15: {  	[smem:$0x3FB3] =	sst s0;
	s0 =	simm.s32 @!p2 $0x0  }
0x16: {  	s3 =	sld [smem:$0x3FDB];
	s0 =	simm.s32 @p2 $0x1  }
0x17: {  	s4 =	simm.s32 $0x1BF5;
	[smem:$0x3FB5] =	sst s0  }
0x18: {  	s0 =	sld [smem:$0x3F98];
	_ =	swait.ge [sflag:s4], $0x0  }
0x19: {  	s7 =	sld [smem:$0x3F99]  }
0x1a: {  	s8 =	sadd.s32 $0xFFFFE003, lr  }
0x1b: {  	s9 =	sadd.s32 $0xFFFFFEF7, lr;
	s5 =	simm.s32 $0xFFFFFFFF;
	p2 =	slt.u32 s8, $0xFFFFF086  }
0x1c: {  	p1 =	slt.u32 s9, $0xF7A;
	s5 =	simm.s32 @!p2 $0x0  }
0x1d: {  	s5 =	simm.s32 @p1 $0x1;
	p0 =	seq.s32 s7, s2  }
0x1e: {  	s7 =	smul.u32 @!p0 $0xF7A, s2;
	p2 =	seq.s32 @!p0 s5, $0x0  }
0x1f: {  	s9 =	smul.u32 $0xF7A, s1;
	s8 =	simm.s32 @!p0 $0x1BF5;
	p2 =	por !p2, p0  }
0x20: {  	[sflag:s8] =	ssyncset.s32 @!p0 $0xFFFFF086;
	s6 =	sadd.s32 @!p0 s3, s7;
	s7 =	simm.s32 @!p0 $0x108  }
0x21: {  	s3 =	sadd.s32 s3, s9;
	s6 =	sadd.s32 @!p0 $0x88, s6;
	s7 =	simm.s32 @p2 $0x1082  }
0x22: {  	[simem:s7], [sflag:s8] =	dma.local @!p0 [hbm:s6], $0xF7A  }
0x23: {  	s9 =	sor.u32 $0xD0000000, s2;
	s6 =	simm.s32 $0x108;
	_ =	swait.ge @!p0 [sflag:s8], $0x0  }
0x24: {  	s3 =	sadd.s32 $0x88, s3;
	s6 =	simm.s32 @!p1 $0x1082;
	[sflag:s4] =	ssyncset.s32 $0xFFFFF086  }
0x25: {  	[simem:s6], [sflag:s4] =	dma.local [hbm:s3], $0xF7A  }
0x26: {  	[smem:$0x3F99] =	sst s1;
	(tag) =	ssettag s2;
	_ =	strace s9  }
0x27: {  	s1 =	sld [smem:$0x3FA9]  }
0x28: {  	s2 =	sld [smem:$0x3FAA]  }
0x29: {  	s4 =	sld [smem:$0x3FAC]  }
0x2a: {  	p0 =	seq.s32 s5, $0x0;
	s5 =	sld [smem:$0x3FAD]  }
0x2b: {  	s6 =	sld [smem:$0x3FAE]  }
0x2c: {  	s7 =	sld [smem:$0x3FAF]  }
0x2d: {  	s3 =	simm.s32 $0x108;
	s8 =	sld [smem:$0x3FB0]  }
0x2e: {  	s3 =	simm.s32 @!p0 $0x1082;
	s9 =	sld [smem:$0x3FB1]  }
0x2f: {  	lr =	sadd.s32 s0, s3;
	s0 =	sld [smem:$0x3FA8]  }
0x30: {  	s3 =	sld [smem:$0x3FAB]  }
0x31: {  	[smem:$0x3FB4] =	sst s10  }
0x32: {  	s10 =	sld [smem:$0x3FB2];
	_ =	sdelay $0x3  }
0x33: {  	p0 =	seq.s32 s10, $0x1;
	s10 =	sld [smem:$0x3FB4];
	_ =	sdelay $0x3  }
0x34: {  	[smem:$0x3FB4] =	sst s10  }
0x35: {  	s10 =	sld [smem:$0x3FB3];
	_ =	sdelay $0x3  }
0x36: {  	p1 =	seq.s32 s10, $0x1;
	s10 =	sld [smem:$0x3FB4];
	_ =	sdelay $0x3  }
0x37: {  	[smem:$0x3FB4] =	sst s10  }
0x38: {  	s10 =	sld [smem:$0x3FB5]  }
0x39: {  	_ = 	snop;
	(pc) =	sbr.ind lr, $3  }
0x3a: {  	_ = 	snop  }
0x3b: {  	_ = 	snop  }
0x3c: {  	p2 =	seq.s32 s10, $0x1;
	s10 =	sld [smem:$0x3FB4]  }
0x3d: {  	_ =	shalt  }
0x3e: {  	_ =	shalt  }
0x3f: {  	_ =	shalt  }
0x40: {  	_ =	shalt  }
0x41: {  	_ =	shalt  }
0x42: {  	_ =	shalt  }
0x43: {  	_ =	shalt  }
0x44: {  	_ =	shalt  }
0x45: {  	_ =	shalt  }
0x46: {  	_ =	shalt  }
0x47: {  	_ =	shalt  }
0x48: {  	_ =	shalt  }
0x49: {  	_ =	shalt  }
0x4a: {  	_ =	shalt  }
0x4b: {  	_ =	shalt  }
0x4c: {  	_ =	shalt  }
0x4d: {  	_ =	shalt  }
0x4e: {  	_ =	shalt  }
0x4f: {  	_ =	shalt  }
0x50: {  	_ =	shalt  }
0x51: {  	_ =	shalt  }
0x52: {  	_ =	shalt  }
0x53: {  	_ =	shalt  }
0x54: {  	_ =	shalt  }
0x55: {  	_ =	shalt  }
0x56: {  	_ =	shalt  }
0x57: {  	_ =	shalt  }
0x58: {  	_ =	shalt  }
0x59: {  	_ =	shalt  }
0x5a: {  	_ =	shalt  }
0x5b: {  	_ =	shalt  }
0x5c: {  	_ =	shalt  }
0x5d: {  	_ =	shalt  }
0x5e: {  	_ =	shalt  }
0x5f: {  	_ =	shalt  }
0x60: {  	_ =	shalt  }
0x61: {  	_ =	shalt  }
0x62: {  	_ =	shalt  }
0x63: {  	_ =	shalt  }
0x64: {  	_ =	shalt  }
0x65: {  	_ =	shalt  }
0x66: {  	_ =	shalt  }
0x67: {  	_ =	shalt  }
0x68: {  	_ =	shalt  }
0x69: {  	_ =	shalt  }
0x6a: {  	_ =	shalt  }
0x6b: {  	_ =	shalt  }
0x6c: {  	_ =	shalt  }
0x6d: {  	_ =	shalt  }
0x6e: {  	_ =	shalt  }
0x6f: {  	_ =	shalt  }
0x70: {  	_ =	shalt  }
0x71: {  	_ =	shalt  }
0x72: {  	_ =	shalt  }
0x73: {  	_ =	shalt  }
0x74: {  	_ =	shalt  }
0x75: {  	_ =	shalt  }
0x76: {  	_ =	shalt  }
0x77: {  	_ =	shalt  }
0x78: {  	_ =	shalt  }
0x79: {  	_ =	shalt  }
0x7a: {  	_ =	shalt  }
0x7b: {  	_ =	shalt  }
0x7c: {  	_ =	shalt  }
0x7d: {  	_ =	shalt  }
0x7e: {  	_ =	shalt  }
0x7f: {  	_ =	shalt  }
0x80: {  	_ =	shalt  }
0x81: {  	_ =	shalt  }
0x82: {  	_ =	shalt  }
0x83: {  	_ =	shalt  }
0x84: {  	_ =	shalt  }
0x85: {  	_ =	shalt  }
0x86: {  	_ =	shalt  }
0x87: {  	_ =	shalt  }
.Lfunc_end0:
.L_simem_size_0:
called_computation_lowered:
.L_overlay_start_0:
0x88: {  	s2 =	sld [smem:$0x3FD9]  }
0x89: {  	s3 =	sld [smem:$0x3FFE];
	_ =	sdelay $0x1  }
0x8a: {  	s1 =	srdreg.scid  }
0x8b: {  	s0 =	sand.u32 $0x1, s1  }
0x8c: {  	s16 =	sshll.u32 s0, $0xA;
	s2 =	sadd.s32 s3, s2  }
0x8d: {  	s2 =	sadd.s32 s2, s16  }
0x8e: {  	[smem:$0x3FC0] =	sst s2  }
0x8f: {  	_ = 	snop  }
0x90: {  	(tm) =	ssettm $0x1  }
0x91: {  	s17 =	sld [smem:$0x3FFB];
	_ =	sdelay $0x3  }
0x92: {  	_ =	strace s17  }
0x93: {  	s2 =	sld [smem:$0x3FFC];
	_ =	sdelay $0x3  }
0x94: {  	_ =	strace s2  }
0x95: {  	s2 =	sld [smem:$0x3FFD];
	_ =	sdelay $0x3  }
0x96: {  	_ =	strace s2  }
0x97: {  	_ =	strace $0x8FFFFFFF  }
0x98: {  	s18 =	sld [smem:$0x3FDB];
	_ =	sdelay $0x1  }
0x99: {  	s19 =	simm.s32 $_scs_section_size  }
0x9a: {  	s4 =	simm.s32 $_size__tile_overlayer_lowered;
	s5 =	simm.s32 $_tile_overlayer_lowered  }
0x9b: {  	s22 =	simm.s32 $0x1BFF;
	s21 =	sshll.u32 s5, $0x1;
	s2 =	sadd.s32 s19, s18  }
0x9c: {  	s6 =	simm.s32 $0x0;
	s20 =	sshll.u32 s4, $0x1;
	s4 =	sadd.s32 s21, s2  }
0x9d: {  	[timem:s6], [sflag:s22] =	dma.local [hbm:s4], s20  }
0x9e: {  	_ =	swait.ge [sflag:s22], s20  }
0x9f: {  	s3 =	ssub.s32 $0x0, s20;
	[sflag:s22] =	ssyncset.done $0x0  }
0xa0: {  	[sflag:s22] =	ssyncadd.s32 s3;
	_ =	sdelay $0x1  }
0xa1: {  	s23 =	simm.s32 $0x1B8B  }
0xa2: {  	_ =	swait.ge [sflag:s23], $0x1  }
0xa3: {  	[sflag:s23] =	ssyncset.done $0x0  }
0xa4: {  	s25 =	simm.s32 $0x1B8E;
	s24 =	sld [smem:$0x3FFE];
	[sflag:s23] =	ssyncadd.s32 $0xFFFFFFFF  }
0xa5: {  	s26 =	simm.s32 $execute0_lowered;
	[smem:$0x3FD2] =	sst s25  }
0xa6: {  	s4 =	sshll.u32 s26, $0x1;
	_ =	strace $0x80000046;
	[dreg:$0x1] =	wrdreg $0xFFFFFFFF  }
0xa7: {  	s28 =	simm.s32 $_size_execute0_lowered;
	s2 =	sadd.s32 s2, s4;
	[dreg:$0x0] =	wrdreg $0x0  }
0xa8: {  	s4 =	sshll.u32 s28, $0x1;
	[dreg:$0x2] =	wrdreg s2  }
0xa9: {  	[dreg:$0x3] =	wrdreg s4  }
0xaa: {  	[dreg:$0x4] =	wrdreg $0xC0  }
0xab: {  	_ =	task [dreg:s6], $0x5FFFF  }
0xac: {  	[dreg:$0x1] =	wrdreg $0xFFFFFFFF  }
0xad: {  	[dreg:$0x0] =	wrdreg $0x60  }
0xae: {  	[dreg:$0x2] =	wrdreg s24  }
0xaf: {  	[dreg:$0x3] =	wrdreg $0x9  }
0xb0: {  	_ =	task.clear_ibuf [dreg:s6], $0x4FFFF;
	_ =	strace $0x90000046  }
0xb1: {  	s29 =	simm.s32 $0x9;
	_ =	strace $0x80000048  }
0xb2: {  	_ =	swait.ge [sflag:s29], $0x1  }
0xb3: {  	[sflag:s29] =	ssyncadd.s32 $0xFFFFFFFF  }
0xb4: {  	_ =	strace $0x90000048  }
0xb5: {  	_ =	sfence  }
0xb6: {  	s30 =	sld [smem:$0x0];
	_ =	sdelay $0x2  }
0xb7: {  	s31 =	sshll.u32 s1, $0xD;
	s1 =	sshrl.u32 s1, $0x2  }
0xb8: {  	s3 =	sand.u32 $0x4000, s31;
	s1 =	sadd.s32 s1, s30  }
0xb9: {  	s0 =	sor.u32 s3, s0;
	s1 =	sshll.u32 s1, $0x11  }
0xba: {  	s0 =	sor.u32 s1, s0  }
0xbb: {  	s0 =	sadd.s32 $0x8F2B, s0  }
0xbc: {  	[sflag:s0] =	ssyncadd.remote.s32 $0x1  }
0xbd: {  	_ =	sfence.sel $0xFFFF  }
0xbe: {  	[dreg:$0x0] =	wrdreg $0xFFFFFFFF;
	(pc) =	sbr.abs _section_cstart, $3  }
0xbf: {  	[dreg:$0x1] =	wrdreg $0xFFFFFFFF  }
0xc0: {  	_ =	task.clear_ibuf [dreg:s6], $0x2FFFF;
	_ =	strace $0x9FFFFFFF  }
0xc1: {  	(tm) =	ssettm $0x7FFFFFFF  }
tec
execute0_lowered:
.L_overlay_start_1:
0x0: {  	(tag) =	ssettag $0x1  }
0x1: {  	s0 =	stileid.u32  }
0x2: {  	s1 =	srdreg.scid;
	s4 =	rddreg [dreg:$0x0];
	s2 =	simm.s32 $0x0  }
0x3: {  	s3 =	sand.u32 $0x1, s1;
	s30 =	sshll.u32 s0, $0x1;
	s1 =	rddreg [dreg:$0x1]  }
0x4: {  	s5 =	smul.u32 $0x9E0, s0;
	[smem:$0x7FF] =	sst s2;
	s6 =	sor.u32 s3, s30  }
0x5: {  	s7 =	ssub.s32 $0x2, s3;
	s3 =	smul.u32 $0x4F0, s3;
	_ =	strace $0x80000047  }
0x6: {  	s6 =	smul.u32 $0x500, s6;
	s5 =	sadd.s32 s5, s4;
	s8 =	sshrl.u32 s7, $0x1  }
0x7: {  	s31 =	ssub.s32 s7, s8;
	s5 =	sadd.s32 s3, s5;
	s7 =	simm.s32 $0x1  }
0x8: {  	s8 =	simm.s32 $0x0;
	s4 =	sadd.s32 s6, s4;
	s5 =	sadd.s32 $0x2000, s5  }
0x9: {  	v0 =	vimm.f32 $0.0e+00;
	v1 =	vimm.f32 $1.000000000e+00;
	s6 =	simm.s32 $0x2800;
	s3 =	sadd.s32 $0xBE00, s4;
	s4 =	smax.u32 s31, $0x1  }
.LBB2_1:
0xa: {  	s9 =	simm.s32 $0x0  }
.LBB2_2:
0xb: {  	p0 =	sne.s32 s9, $0x9FC0  }
.Ltmp0:
0xc: {  	_ = 	snop;
	(pc) =	sbr.rel @p0 .LBB2_2-.Ltmp0, $3  }
0xd: {  	_ =	sdelay $0x1  }
0xe: {  	s10 =	sshra.s32 s9, $0x2  }
0xf: {  	s9 =	sadd.s32 $0x40, s9;
	[tilespmem:s10+$0x0] =	vst v0  }
0x10: {  	s9 =	simm.s32 $0x0  }
.LBB2_4:
0x11: {  	s10 =	sadd.s32 s9, s5  }
0x12: {  	[tilespmem:s6], [sflag:$0x1] =	stream.linear.gather [hbm4b:s10+s2], $0x80, $0x38;
	[tilespmem:$0x2880] =	vst v63  }
0x13: {  	_ =	swait.ge [sflag:s7], $0x80  }
0x14: {  	[sflag:s7] =	ssyncset.done $0x0  }
0x15: {  	[sflag:s7] =	ssyncadd.s32 $0xFFFFFF80  }
0x16: {  	v2 =	vld [tilespmem:$0x2800];
	_ =	sdelay $0x7  }
0x17: {  	[tilespmem:v2+s2+$0x0] =	vst.idx.add.f32.msk $0xffff, v1  }
0x18: {  	v2 =	vld [tilespmem:$0x2810];
	_ =	sdelay $0x7  }
0x19: {  	[tilespmem:v2+s2+$0x0] =	vst.idx.add.f32.msk $0xffff, v1  }
0x1a: {  	v2 =	vld [tilespmem:$0x2820];
	_ =	sdelay $0x7  }
0x1b: {  	[tilespmem:v2+s2+$0x0] =	vst.idx.add.f32.msk $0xffff, v1  }
0x1c: {  	v2 =	vld [tilespmem:$0x2830];
	_ =	sdelay $0x7  }
0x1d: {  	[tilespmem:v2+s2+$0x0] =	vst.idx.add.f32.msk $0xffff, v1  }
0x1e: {  	v2 =	vld [tilespmem:$0x2840];
	_ =	sdelay $0x7  }
0x1f: {  	[tilespmem:v2+s2+$0x0] =	vst.idx.add.f32.msk $0xffff, v1  }
0x20: {  	v2 =	vld [tilespmem:$0x2850];
	_ =	sdelay $0x7  }
0x21: {  	[tilespmem:v2+s2+$0x0] =	vst.idx.add.f32.msk $0xffff, v1  }
0x22: {  	v2 =	vld [tilespmem:$0x2860];
	_ =	sdelay $0x7  }
0x23: {  	[tilespmem:v2+s2+$0x0] =	vst.idx.add.f32.msk $0xffff, v1  }
0x24: {  	v2 =	vld [tilespmem:$0x2870];
	_ =	sdelay $0x2  }
0x25: {  	p0 =	sne.s32 s9, $0x4E0  }
.Ltmp1:
0x26: {  	_ = 	snop;
	(pc) =	sbr.rel @p0 .LBB2_4-.Ltmp1, $2  }
0x27: {  	_ =	sdelay $0x2  }
0x28: {  	s9 =	sadd.s32 $0x10, s9;
	[tilespmem:v2+s2+$0x0] =	vst.idx.add.f32.msk $0xffff, v1  }
0x29: {  	s8 =	sadd.s32 $0x1, s8  }
0x2a: {  	p0 =	sne.s32 s8, s4  }
.Ltmp2:
0x2b: {  	_ = 	snop;
	(pc) =	sbr.rel @p0 .LBB2_1-.Ltmp2, $4  }
0x2c: {  	[hbm4b:s3+s2] =	stream.linear.scatter [tilespmem:s2], [sflag:$0x1], $0x2800, $0x38;
	[tilespmem:$0x2880] =	vst v63  }
0x2d: {  	_ =	swait.ge [sflag:s7], $0x2800  }
0x2e: {  	[sflag:s7] =	ssyncset.done $0x0  }
0x2f: {  	[sflag:s7] =	ssyncadd.s32 $0xFFFFD800  }
0x30: {  	_ =	sfence.sel $0x180000  }
0x31: {  	[bflag:$0x0] =	sbarrier.arrive $0xFFFF  }
0x32: {  	p0 =	sne.s32 s0, $0x0;
	_ =	strace $0x90000047  }
0x33: {  	s0 =	sadd.s32 @!p0 $0x100000, s1;
	[bflag:$0x2] =	sbarrier.arrive $0xFFFF  }
0x34: {  	[sflag:s0] =	ssyncadd.tile.s32 @!p0 $0x1;
	_ =	shalt  }
.Lfunc_end2:
_tile_overlayer_lowered:
.L_overlay_start_2:
0x35: {  	(tag) =	ssettag $0x2  }
0x36: {  	s0 =	rddreg [dreg:$0x0];
	s2 =	stileid.u32  }
0x37: {  	s1 =	rddreg [dreg:$0x1];
	p0 =	sne.s32 s2, $0x0  }
0x38: {  	s3 =	rddreg [dreg:$0x2];
	[bflag:$0x3] =	sbarrier.arrive $0xFFFF;
	s2 =	simm.s32 @!p0 $0x1C01  }
0x39: {  	[timem:s3], [sflag:s2] =	dma.local @!p0 [hbm:s0], s1  }
0x3a: {  	s0 =	simm.s32 @!p0 $0x1  }
0x3b: {  	_ =	swait.ge @!p0 [sflag:s0], s1  }
0x3c: {  	s1 =	ssub.s32 @!p0 $0x0, s1;
	[sflag:s0] =	ssyncset.done @!p0 $0x0  }
0x3d: {  	[sflag:s0] =	ssyncadd.s32 @!p0 s1  }
0x3e: {  	[bflag:$0x3] =	sbarrier.arrive $0xFFFF  }
0x3f: {  	_ =	shalt  }

</sc_bundles>
